<compile_context>
chip_gen: v7x
topology: tpu7x:2x2x1
jax: 0.10.2.dev20260603
libtpu: 0.0.44.dev20260713+nightly
codegen_flags: <defaults>
</compile_context>

<pallas_src>
import functools

import jax
import jax.numpy as jnp
from jax import lax
from jax.experimental import pallas as pl
from jax.experimental.pallas import tpu as pltpu
from jax.experimental.pallas import tpu_sc as plsc

_info = plsc.get_sparse_core_info()
_NC = _info.num_cores
_NS = _info.num_subcores
_NW = _NC * _NS

_PGRP = 2


@functools.cache
def _build_gather(b, p, v, d):
    assert b % _NW == 0 and p % _PGRP == 0
    cols = b // _NW
    rows_per_tile = (-(-v // _NS) + 7) & ~7
    full_tiles = min(_NS - 1, v // rows_per_tile)
    rows_rem = v - full_tiles * rows_per_tile

    mesh = plsc.VectorSubcoreMesh(core_axis_name="c", subcore_axis_name="s")

    @functools.partial(
        pl.kernel,
        out_type=jax.ShapeDtypeStruct((p, b, d), jnp.float32),
        mesh=mesh,
        scratch_types=[
            pltpu.VMEM((p, 128), jnp.int32),
            pltpu.VMEM((p, cols, d), jnp.float32),
            pltpu.VMEM_SHARED((v, d), jnp.float32),
        ]
        + [pltpu.SemaphoreType.DMA] * (p + 2),
    )
    def emb_kernel(idx_hbm, table_hbm, out_hbm, idx_v, rows_v, table_sp,
                   *sems):
        sem_s = sems[p]
        sem_i = sems[p + 1]
        sid = lax.axis_index("s")
        wid = sid * _NC + lax.axis_index("c")
        c0 = wid * cols
        ic0 = (wid // (128 // cols)) * 128
        qoff = (wid % (128 // cols)) * cols
        idx_cp = pltpu.async_copy(idx_hbm.at[:, pl.ds(ic0, 128)], idx_v, sem_i)

        @pl.when(sid < full_tiles)
        def _():
            pltpu.sync_copy(
                table_hbm.at[pl.ds(sid * rows_per_tile, rows_per_tile)],
                table_sp.at[pl.ds(sid * rows_per_tile, rows_per_tile)],
            )
        if rows_rem:
            @pl.when(sid == full_tiles)
            def _():
                pltpu.sync_copy(
                    table_hbm.at[pl.ds(full_tiles * rows_per_tile, rows_rem)],
                    table_sp.at[pl.ds(full_tiles * rows_per_tile, rows_rem)],
                )
        idx_cp.wait()
        plsc.subcore_barrier()
        gathers = []
        for j in range(p):
            gathers.append(
                pltpu.async_copy(
                    table_sp.at[idx_v.at[j, pl.ds(qoff, cols)]],
                    rows_v.at[j],
                    sems[j],
                )
            )
        scatters = []
        for j0 in range(0, p, _PGRP):
            for j in range(j0, j0 + _PGRP):
                gathers[j].wait()
            scatters.append(
                pltpu.async_copy(
                    rows_v.at[pl.ds(j0, _PGRP)],
                    out_hbm.at[pl.ds(j0, _PGRP), pl.ds(c0, cols)],
                    sem_s,
                )
            )
        for cp in scatters:
            cp.wait()

    return emb_kernel


def kernel(x, W):
    b, p = x.shape
    v, d = W.shape
    out_t = _build_gather(b, p, v, d)(x.T.astype(jnp.int32), W)
    return out_t.transpose(1, 0, 2)

# --- scband reference (transcript-rebuilt; emitter-appended) ---
"""Pipeline reference for scband-embedding-62371515072547 (READ-ONLY COPY).

The authoritative reference and input builder live on the scoring server;
editing this copy changes nothing except your own understanding.
"""

import jax, jax.numpy as jnp
import numpy as np

NUM_EMBEDDINGS = 1000
EMBED_DIM = 128
BATCH = 1024
POS = 20
INIT_RANGE = 0.02


def setup_inputs(seed: int = 0) -> dict:
    key = jax.random.key(seed)
    k_idx, k_w = jax.random.split(key)
    x = jax.random.randint(k_idx, (BATCH, POS), 0, NUM_EMBEDDINGS, dtype=jnp.int64 if jax.config.jax_enable_x64 else jnp.int32)
    W = jax.random.normal(k_w, (NUM_EMBEDDINGS, EMBED_DIM), dtype=jnp.float32) * INIT_RANGE
    return {"x": x, "W": W}


def reference(x, W):
    # Faithful translation of the torch module: one-hot the indices, then
    # einsum 'batch pos num_embeddings, num_embeddings embed_dim -> batch pos embed_dim'.
    one_hot = jax.nn.one_hot(x, NUM_EMBEDDINGS, dtype=jnp.float32)
    out = jnp.einsum('bpn,nd->bpd', one_hot, W)
    return out

if __name__ == "__main__":
    import jax
    _d = setup_inputs()
    print(jax.jit(kernel)(*tuple(_d.values())))

</pallas_src>

<mosaic_0001>
#map = affine_map<(d0, d1) -> (0, 0)>
#map1 = affine_map<(d0, d1) -> (0, 0, 0)>
module attributes {stable_mosaic.version = 14 : i64} {
  func.func @emb_kernel(%arg0: i32, %arg1: i32, %arg2: memref<20x1024xi32, #tpu.memory_space<hbm>>, %arg3: memref<1000x128xf32, #tpu.memory_space<hbm>>, %arg4: memref<20x1024x128xf32, #tpu.memory_space<hbm>>, %arg5: memref<20x128xi32, #tpu.memory_space<vmem>>, %arg6: memref<20x32x128xf32, #tpu.memory_space<vmem>>, %arg7: memref<1000x128xf32, #tpu.memory_space<vmem_shared>>, %arg8: memref<!tpu.dma_semaphore, #tpu.memory_space<semaphore_mem>>, %arg9: memref<!tpu.dma_semaphore, #tpu.memory_space<semaphore_mem>>, %arg10: memref<!tpu.dma_semaphore, #tpu.memory_space<semaphore_mem>>, %arg11: memref<!tpu.dma_semaphore, #tpu.memory_space<semaphore_mem>>, %arg12: memref<!tpu.dma_semaphore, #tpu.memory_space<semaphore_mem>>, %arg13: memref<!tpu.dma_semaphore, #tpu.memory_space<semaphore_mem>>, %arg14: memref<!tpu.dma_semaphore, #tpu.memory_space<semaphore_mem>>, %arg15: memref<!tpu.dma_semaphore, #tpu.memory_space<semaphore_mem>>, %arg16: memref<!tpu.dma_semaphore, #tpu.memory_space<semaphore_mem>>, %arg17: memref<!tpu.dma_semaphore, #tpu.memory_space<semaphore_mem>>, %arg18: memref<!tpu.dma_semaphore, #tpu.memory_space<semaphore_mem>>, %arg19: memref<!tpu.dma_semaphore, #tpu.memory_space<semaphore_mem>>, %arg20: memref<!tpu.dma_semaphore, #tpu.memory_space<semaphore_mem>>, %arg21: memref<!tpu.dma_semaphore, #tpu.memory_space<semaphore_mem>>, %arg22: memref<!tpu.dma_semaphore, #tpu.memory_space<semaphore_mem>>, %arg23: memref<!tpu.dma_semaphore, #tpu.memory_space<semaphore_mem>>, %arg24: memref<!tpu.dma_semaphore, #tpu.memory_space<semaphore_mem>>, %arg25: memref<!tpu.dma_semaphore, #tpu.memory_space<semaphore_mem>>, %arg26: memref<!tpu.dma_semaphore, #tpu.memory_space<semaphore_mem>>, %arg27: memref<!tpu.dma_semaphore, #tpu.memory_space<semaphore_mem>>, %arg28: memref<!tpu.dma_semaphore, #tpu.memory_space<semaphore_mem>>, %arg29: memref<!tpu.dma_semaphore, #tpu.memory_space<semaphore_mem>>) attributes {dimension_semantics = [#tpu.dimension_semantics<core_parallel>, #tpu.dimension_semantics<subcore_parallel>], iteration_bounds = array<i64: 2, 16>, scalar_prefetch = 0 : i64, scratch_operands = 25 : i64, tpu.core_type = #tpu.core_type<sc_vector_subcore>, window_params = [{transform_indices = #map}, {transform_indices = #map}, {transform_indices = #map1}]} {
    %mul3A = arith.constant 2 : i32
    %mul3A_0 = arith.muli %arg1, %mul3A : i32
    %add3A = arith.addi %mul3A_0, %arg0 : i32
    %mul3A_1 = arith.constant 32 : i32
    %mul3A_2 = arith.muli %add3A, %mul3A_1 : i32
    %jit3A = arith.constant 4 : i32
    %div3A = arith.divsi %add3A, %jit3A : i32
    %sign3A = arith.constant 0 : i32
    %sign3A_3 = arith.cmpi sgt, %add3A, %sign3A : i32
    %sign3A_4 = arith.extui %sign3A_3 : i1 to i32
    %sign3A_5 = arith.constant 0 : i32
    %sign3A_6 = arith.cmpi slt, %add3A, %sign3A_5 : i32
    %sign3A_7 = arith.extui %sign3A_6 : i1 to i32
    %sign3A_8 = arith.subi %sign3A_4, %sign3A_7 : i32
    %sign3A_9 = arith.constant 0 : i32
    %sign3A_10 = arith.cmpi sgt, %jit3A, %sign3A_9 : i32
    %sign3A_11 = arith.extui %sign3A_10 : i1 to i32
    %sign3A_12 = arith.constant 0 : i32
    %sign3A_13 = arith.cmpi slt, %jit3A, %sign3A_12 : i32
    %sign3A_14 = arith.extui %sign3A_13 : i1 to i32
    %sign3A_15 = arith.subi %sign3A_11, %sign3A_14 : i32
    %ne3A = arith.cmpi ne, %sign3A_8, %sign3A_15 : i32
    %rem3A = arith.remsi %add3A, %jit3A : i32
    %ne3A_16 = arith.constant 0 : i32
    %ne3A_17 = arith.cmpi ne, %rem3A, %ne3A_16 : i32
    %and3A = arith.andi %ne3A, %ne3A_17 : i1
    %sub3A = arith.constant 1 : i32
    %sub3A_18 = arith.subi %div3A, %sub3A : i32
    %select_n3A = arith.select %and3A, %sub3A_18, %div3A : i32
    %mul3A_19 = arith.constant 128 : i32
    %mul3A_20 = arith.muli %select_n3A, %mul3A_19 : i32
    %jit3A_21 = arith.constant 4 : i32
    %eq3A = arith.constant 0 : i32
    %eq3A_22 = arith.cmpi eq, %jit3A_21, %eq3A : i32
    %jit3A_23 = arith.constant 1 : i32
    %select_n3A_24 = arith.select %eq3A_22, %jit3A_23, %jit3A_21 : i32
    %rem3A_25 = arith.remsi %add3A, %select_n3A_24 : i32
    %ne3A_26 = arith.constant 0 : i32
    %ne3A_27 = arith.cmpi ne, %rem3A_25, %ne3A_26 : i32
    %lt3A = arith.constant 0 : i32
    %lt3A_28 = arith.cmpi slt, %rem3A_25, %lt3A : i32
    %lt3A_29 = arith.constant 0 : i32
    %lt3A_30 = arith.cmpi slt, %select_n3A_24, %lt3A_29 : i32
    %ne3A_31 = arith.xori %lt3A_28, %lt3A_30 : i1
    %and3A_32 = arith.andi %ne3A_31, %ne3A_27 : i1
    %add3A_33 = arith.addi %rem3A_25, %select_n3A_24 : i32
    %select_n3A_34 = arith.select %and3A_32, %add3A_33, %rem3A_25 : i32
    %mul3A_35 = arith.constant 32 : i32
    %mul3A_36 = arith.muli %select_n3A_34, %mul3A_35 : i32
    %dma_start3A = arith.constant 0 : i32
    %dma_start3A_37 = tpu.memref_slice %arg2[%dma_start3A, %mul3A_20] : memref<20x1024xi32, #tpu.memory_space<hbm>> -> memref<20x128xi32, #tpu.memory_space<hbm>>
    %dma_start3A_38 = arith.constant 0 : i32
    %dma_start3A_39 = tpu.memref_slice %arg2[%dma_start3A_38, %mul3A_20] : memref<20x1024xi32, #tpu.memory_space<hbm>> -> memref<20x128xi32, #tpu.memory_space<hbm>>
    tpu.enqueue_dma source(%dma_start3A_39 : memref<20x128xi32, #tpu.memory_space<hbm>>) target(%arg5 : memref<20x128xi32, #tpu.memory_space<vmem>>) target_semaphore(%arg29 : memref<!tpu.dma_semaphore, #tpu.memory_space<semaphore_mem>>)
    %lt3A_40 = arith.constant 15 : i32
    %lt3A_41 = arith.cmpi slt, %arg1, %lt3A_40 : i32
    %convert_element_type3A = arith.extui %lt3A_41 : i1 to i32
    %cond3A = arith.constant 0 : i32
    %cond3A_42 = arith.cmpi ne, %convert_element_type3A, %cond3A : i32
    scf.if %cond3A_42 {
      %mul3A_771 = arith.constant 64 : i32
      %mul3A_772 = arith.muli %arg1, %mul3A_771 : i32
      %mul3A_773 = arith.constant 64 : i32
      %mul3A_774 = arith.muli %arg1, %mul3A_773 : i32
      "tpu.region"() ({
        %run_scoped3A = tpu.sem_alloc : memref<!tpu.dma_semaphore, #tpu.memory_space<semaphore_mem>>
        %dma_start3A_775 = arith.constant 0 : i32
        %dma_start3A_776 = tpu.memref_slice %arg7[%mul3A_774, %dma_start3A_775] : memref<1000x128xf32, #tpu.memory_space<vmem_shared>> -> memref<64x128xf32, #tpu.memory_space<vmem_shared>>
        %dma_start3A_777 = arith.constant 0 : i32
        %dma_start3A_778 = tpu.memref_slice %arg3[%mul3A_772, %dma_start3A_777] : memref<1000x128xf32, #tpu.memory_space<hbm>> -> memref<64x128xf32, #tpu.memory_space<hbm>>
        tpu.enqueue_dma source(%dma_start3A_778 : memref<64x128xf32, #tpu.memory_space<hbm>>) target(%dma_start3A_776 : memref<64x128xf32, #tpu.memory_space<vmem_shared>>) target_semaphore(%run_scoped3A : memref<!tpu.dma_semaphore, #tpu.memory_space<semaphore_mem>>)
        %dma_wait3A_779 = arith.constant 0 : i32
        %dma_wait3A_780 = tpu.memref_slice %arg7[%mul3A_774, %dma_wait3A_779] : memref<1000x128xf32, #tpu.memory_space<vmem_shared>> -> memref<64x128xf32, #tpu.memory_space<vmem_shared>>
        %dma_wait3A_781 = arith.constant 0 : i32
        %dma_wait3A_782 = tpu.memref_slice %arg3[%mul3A_772, %dma_wait3A_781] : memref<1000x128xf32, #tpu.memory_space<hbm>> -> memref<64x128xf32, #tpu.memory_space<hbm>>
        tpu.wait_dma2 semaphore(%run_scoped3A : memref<!tpu.dma_semaphore, #tpu.memory_space<semaphore_mem>>) src(%dma_wait3A_782 : memref<64x128xf32, #tpu.memory_space<hbm>>) dst(%dma_wait3A_780 : memref<64x128xf32, #tpu.memory_space<vmem_shared>>)
        tpu.yield
      }) : () -> ()
    } else {
    }
    %eq3A_43 = arith.constant 15 : i32
    %eq3A_44 = arith.cmpi eq, %arg1, %eq3A_43 : i32
    %convert_element_type3A_45 = arith.extui %eq3A_44 : i1 to i32
    %cond3A_46 = arith.constant 0 : i32
    %cond3A_47 = arith.cmpi ne, %convert_element_type3A_45, %cond3A_46 : i32
    scf.if %cond3A_47 {
      "tpu.region"() ({
        %run_scoped3A = tpu.sem_alloc : memref<!tpu.dma_semaphore, #tpu.memory_space<semaphore_mem>>
        %dma_start3A_771 = arith.constant 960 : i32
        %dma_start3A_772 = arith.constant 0 : i32
        %dma_start3A_773 = tpu.memref_slice %arg7[%dma_start3A_771, %dma_start3A_772] : memref<1000x128xf32, #tpu.memory_space<vmem_shared>> -> memref<40x128xf32, #tpu.memory_space<vmem_shared>>
        %dma_start3A_774 = arith.constant 960 : i32
        %dma_start3A_775 = arith.constant 0 : i32
        %dma_start3A_776 = tpu.memref_slice %arg3[%dma_start3A_774, %dma_start3A_775] : memref<1000x128xf32, #tpu.memory_space<hbm>> -> memref<40x128xf32, #tpu.memory_space<hbm>>
        tpu.enqueue_dma source(%dma_start3A_776 : memref<40x128xf32, #tpu.memory_space<hbm>>) target(%dma_start3A_773 : memref<40x128xf32, #tpu.memory_space<vmem_shared>>) target_semaphore(%run_scoped3A : memref<!tpu.dma_semaphore, #tpu.memory_space<semaphore_mem>>)
        %dma_wait3A_777 = arith.constant 960 : i32
        %dma_wait3A_778 = arith.constant 0 : i32
        %dma_wait3A_779 = tpu.memref_slice %arg7[%dma_wait3A_777, %dma_wait3A_778] : memref<1000x128xf32, #tpu.memory_space<vmem_shared>> -> memref<40x128xf32, #tpu.memory_space<vmem_shared>>
        %dma_wait3A_780 = arith.constant 960 : i32
        %dma_wait3A_781 = arith.constant 0 : i32
        %dma_wait3A_782 = tpu.memref_slice %arg3[%dma_wait3A_780, %dma_wait3A_781] : memref<1000x128xf32, #tpu.memory_space<hbm>> -> memref<40x128xf32, #tpu.memory_space<hbm>>
        tpu.wait_dma2 semaphore(%run_scoped3A : memref<!tpu.dma_semaphore, #tpu.memory_space<semaphore_mem>>) src(%dma_wait3A_782 : memref<40x128xf32, #tpu.memory_space<hbm>>) dst(%dma_wait3A_779 : memref<40x128xf32, #tpu.memory_space<vmem_shared>>)
        tpu.yield
      }) : () -> ()
    } else {
    }
    %dma_wait3A = arith.constant 0 : i32
    %dma_wait3A_48 = tpu.memref_slice %arg2[%dma_wait3A, %mul3A_20] : memref<20x1024xi32, #tpu.memory_space<hbm>> -> memref<20x128xi32, #tpu.memory_space<hbm>>
    %dma_wait3A_49 = arith.constant 0 : i32
    %dma_wait3A_50 = tpu.memref_slice %arg2[%dma_wait3A_49, %mul3A_20] : memref<20x1024xi32, #tpu.memory_space<hbm>> -> memref<20x128xi32, #tpu.memory_space<hbm>>
    tpu.wait_dma2 semaphore(%arg29 : memref<!tpu.dma_semaphore, #tpu.memory_space<semaphore_mem>>) src(%dma_wait3A_50 : memref<20x128xi32, #tpu.memory_space<hbm>>) dst(%arg5 : memref<20x128xi32, #tpu.memory_space<vmem>>)
    %barrier3A = arith.constant 0 : index
    tpu.barrier barrier_id(%barrier3A)
    %dma_start3A_51 = arith.constant 0 : i32
    %dma_start3A_52 = arith.constant 0 : i32
    %dma_start3A_53 = arith.constant 0 : i32
    %dma_start3A_54 = arith.constant 0 : i32
    %dma_start3A_55 = tpu.memref_slice %arg6[%dma_start3A_52, %dma_start3A_53, %dma_start3A_54] : memref<20x32x128xf32, #tpu.memory_space<vmem>> -> memref<1x32x128xf32, #tpu.memory_space<vmem>>
    %dma_start3A_56 = tpu.memref_squeeze %dma_start3A_55 : memref<1x32x128xf32, #tpu.memory_space<vmem>> -> memref<32x128xf32, #tpu.memory_space<vmem>>
    %dma_start3A_57 = tpu.memref_slice %arg5[%dma_start3A_51, %mul3A_36] : memref<20x128xi32, #tpu.memory_space<vmem>> -> memref<1x32xi32, #tpu.memory_space<vmem>>
    %dma_start3A_58 = tpu.memref_squeeze %dma_start3A_57 : memref<1x32xi32, #tpu.memory_space<vmem>> -> memref<32xi32, #tpu.memory_space<vmem>>
    %dma_start3A_59 = arith.constant 0 : i32
    %dma_start3A_60 = arith.constant 0 : i32
    %dma_start3A_61 = tpu.memref_slice %arg7[%dma_start3A_59, %dma_start3A_60] : memref<1000x128xf32, #tpu.memory_space<vmem_shared>> -> memref<1000x128xf32, #tpu.memory_space<vmem_shared>>
    tpu.enqueue_indirect_dma source(%dma_start3A_61 : memref<1000x128xf32, #tpu.memory_space<vmem_shared>>) target(%dma_start3A_56 : memref<32x128xf32, #tpu.memory_space<vmem>>) offsets(%dma_start3A_58 : memref<32xi32, #tpu.memory_space<vmem>>) semaphore(%arg8 : memref<!tpu.dma_semaphore, #tpu.memory_space<semaphore_mem>>)
    %dma_start3A_62 = arith.constant 1 : i32
    %dma_start3A_63 = arith.constant 1 : i32
    %dma_start3A_64 = arith.constant 0 : i32
    %dma_start3A_65 = arith.constant 0 : i32
    %dma_start3A_66 = tpu.memref_slice %arg6[%dma_start3A_63, %dma_start3A_64, %dma_start3A_65] : memref<20x32x128xf32, #tpu.memory_space<vmem>> -> memref<1x32x128xf32, #tpu.memory_space<vmem>>
    %dma_start3A_67 = tpu.memref_squeeze %dma_start3A_66 : memref<1x32x128xf32, #tpu.memory_space<vmem>> -> memref<32x128xf32, #tpu.memory_space<vmem>>
    %dma_start3A_68 = tpu.memref_slice %arg5[%dma_start3A_62, %mul3A_36] : memref<20x128xi32, #tpu.memory_space<vmem>> -> memref<1x32xi32, #tpu.memory_space<vmem>>
    %dma_start3A_69 = tpu.memref_squeeze %dma_start3A_68 : memref<1x32xi32, #tpu.memory_space<vmem>> -> memref<32xi32, #tpu.memory_space<vmem>>
    %dma_start3A_70 = arith.constant 0 : i32
    %dma_start3A_71 = arith.constant 0 : i32
    %dma_start3A_72 = tpu.memref_slice %arg7[%dma_start3A_70, %dma_start3A_71] : memref<1000x128xf32, #tpu.memory_space<vmem_shared>> -> memref<1000x128xf32, #tpu.memory_space<vmem_shared>>
    tpu.enqueue_indirect_dma source(%dma_start3A_72 : memref<1000x128xf32, #tpu.memory_space<vmem_shared>>) target(%dma_start3A_67 : memref<32x128xf32, #tpu.memory_space<vmem>>) offsets(%dma_start3A_69 : memref<32xi32, #tpu.memory_space<vmem>>) semaphore(%arg9 : memref<!tpu.dma_semaphore, #tpu.memory_space<semaphore_mem>>)
    %dma_start3A_73 = arith.constant 2 : i32
    %dma_start3A_74 = arith.constant 2 : i32
    %dma_start3A_75 = arith.constant 0 : i32
    %dma_start3A_76 = arith.constant 0 : i32
    %dma_start3A_77 = tpu.memref_slice %arg6[%dma_start3A_74, %dma_start3A_75, %dma_start3A_76] : memref<20x32x128xf32, #tpu.memory_space<vmem>> -> memref<1x32x128xf32, #tpu.memory_space<vmem>>
    %dma_start3A_78 = tpu.memref_squeeze %dma_start3A_77 : memref<1x32x128xf32, #tpu.memory_space<vmem>> -> memref<32x128xf32, #tpu.memory_space<vmem>>
    %dma_start3A_79 = tpu.memref_slice %arg5[%dma_start3A_73, %mul3A_36] : memref<20x128xi32, #tpu.memory_space<vmem>> -> memref<1x32xi32, #tpu.memory_space<vmem>>
    %dma_start3A_80 = tpu.memref_squeeze %dma_start3A_79 : memref<1x32xi32, #tpu.memory_space<vmem>> -> memref<32xi32, #tpu.memory_space<vmem>>
    %dma_start3A_81 = arith.constant 0 : i32
    %dma_start3A_82 = arith.constant 0 : i32
    %dma_start3A_83 = tpu.memref_slice %arg7[%dma_start3A_81, %dma_start3A_82] : memref<1000x128xf32, #tpu.memory_space<vmem_shared>> -> memref<1000x128xf32, #tpu.memory_space<vmem_shared>>
    tpu.enqueue_indirect_dma source(%dma_start3A_83 : memref<1000x128xf32, #tpu.memory_space<vmem_shared>>) target(%dma_start3A_78 : memref<32x128xf32, #tpu.memory_space<vmem>>) offsets(%dma_start3A_80 : memref<32xi32, #tpu.memory_space<vmem>>) semaphore(%arg10 : memref<!tpu.dma_semaphore, #tpu.memory_space<semaphore_mem>>)
    %dma_start3A_84 = arith.constant 3 : i32
    %dma_start3A_85 = arith.constant 3 : i32
    %dma_start3A_86 = arith.constant 0 : i32
    %dma_start3A_87 = arith.constant 0 : i32
    %dma_start3A_88 = tpu.memref_slice %arg6[%dma_start3A_85, %dma_start3A_86, %dma_start3A_87] : memref<20x32x128xf32, #tpu.memory_space<vmem>> -> memref<1x32x128xf32, #tpu.memory_space<vmem>>
    %dma_start3A_89 = tpu.memref_squeeze %dma_start3A_88 : memref<1x32x128xf32, #tpu.memory_space<vmem>> -> memref<32x128xf32, #tpu.memory_space<vmem>>
    %dma_start3A_90 = tpu.memref_slice %arg5[%dma_start3A_84, %mul3A_36] : memref<20x128xi32, #tpu.memory_space<vmem>> -> memref<1x32xi32, #tpu.memory_space<vmem>>
    %dma_start3A_91 = tpu.memref_squeeze %dma_start3A_90 : memref<1x32xi32, #tpu.memory_space<vmem>> -> memref<32xi32, #tpu.memory_space<vmem>>
    %dma_start3A_92 = arith.constant 0 : i32
    %dma_start3A_93 = arith.constant 0 : i32
    %dma_start3A_94 = tpu.memref_slice %arg7[%dma_start3A_92, %dma_start3A_93] : memref<1000x128xf32, #tpu.memory_space<vmem_shared>> -> memref<1000x128xf32, #tpu.memory_space<vmem_shared>>
    tpu.enqueue_indirect_dma source(%dma_start3A_94 : memref<1000x128xf32, #tpu.memory_space<vmem_shared>>) target(%dma_start3A_89 : memref<32x128xf32, #tpu.memory_space<vmem>>) offsets(%dma_start3A_91 : memref<32xi32, #tpu.memory_space<vmem>>) semaphore(%arg11 : memref<!tpu.dma_semaphore, #tpu.memory_space<semaphore_mem>>)
    %dma_start3A_95 = arith.constant 4 : i32
    %dma_start3A_96 = arith.constant 4 : i32
    %dma_start3A_97 = arith.constant 0 : i32
    %dma_start3A_98 = arith.constant 0 : i32
    %dma_start3A_99 = tpu.memref_slice %arg6[%dma_start3A_96, %dma_start3A_97, %dma_start3A_98] : memref<20x32x128xf32, #tpu.memory_space<vmem>> -> memref<1x32x128xf32, #tpu.memory_space<vmem>>
    %dma_start3A_100 = tpu.memref_squeeze %dma_start3A_99 : memref<1x32x128xf32, #tpu.memory_space<vmem>> -> memref<32x128xf32, #tpu.memory_space<vmem>>
    %dma_start3A_101 = tpu.memref_slice %arg5[%dma_start3A_95, %mul3A_36] : memref<20x128xi32, #tpu.memory_space<vmem>> -> memref<1x32xi32, #tpu.memory_space<vmem>>
    %dma_start3A_102 = tpu.memref_squeeze %dma_start3A_101 : memref<1x32xi32, #tpu.memory_space<vmem>> -> memref<32xi32, #tpu.memory_space<vmem>>
    %dma_start3A_103 = arith.constant 0 : i32
    %dma_start3A_104 = arith.constant 0 : i32
    %dma_start3A_105 = tpu.memref_slice %arg7[%dma_start3A_103, %dma_start3A_104] : memref<1000x128xf32, #tpu.memory_space<vmem_shared>> -> memref<1000x128xf32, #tpu.memory_space<vmem_shared>>
    tpu.enqueue_indirect_dma source(%dma_start3A_105 : memref<1000x128xf32, #tpu.memory_space<vmem_shared>>) target(%dma_start3A_100 : memref<32x128xf32, #tpu.memory_space<vmem>>) offsets(%dma_start3A_102 : memref<32xi32, #tpu.memory_space<vmem>>) semaphore(%arg12 : memref<!tpu.dma_semaphore, #tpu.memory_space<semaphore_mem>>)
    %dma_start3A_106 = arith.constant 5 : i32
    %dma_start3A_107 = arith.constant 5 : i32
    %dma_start3A_108 = arith.constant 0 : i32
    %dma_start3A_109 = arith.constant 0 : i32
    %dma_start3A_110 = tpu.memref_slice %arg6[%dma_start3A_107, %dma_start3A_108, %dma_start3A_109] : memref<20x32x128xf32, #tpu.memory_space<vmem>> -> memref<1x32x128xf32, #tpu.memory_space<vmem>>
    %dma_start3A_111 = tpu.memref_squeeze %dma_start3A_110 : memref<1x32x128xf32, #tpu.memory_space<vmem>> -> memref<32x128xf32, #tpu.memory_space<vmem>>
    %dma_start3A_112 = tpu.memref_slice %arg5[%dma_start3A_106, %mul3A_36] : memref<20x128xi32, #tpu.memory_space<vmem>> -> memref<1x32xi32, #tpu.memory_space<vmem>>
    %dma_start3A_113 = tpu.memref_squeeze %dma_start3A_112 : memref<1x32xi32, #tpu.memory_space<vmem>> -> memref<32xi32, #tpu.memory_space<vmem>>
    %dma_start3A_114 = arith.constant 0 : i32
    %dma_start3A_115 = arith.constant 0 : i32
    %dma_start3A_116 = tpu.memref_slice %arg7[%dma_start3A_114, %dma_start3A_115] : memref<1000x128xf32, #tpu.memory_space<vmem_shared>> -> memref<1000x128xf32, #tpu.memory_space<vmem_shared>>
    tpu.enqueue_indirect_dma source(%dma_start3A_116 : memref<1000x128xf32, #tpu.memory_space<vmem_shared>>) target(%dma_start3A_111 : memref<32x128xf32, #tpu.memory_space<vmem>>) offsets(%dma_start3A_113 : memref<32xi32, #tpu.memory_space<vmem>>) semaphore(%arg13 : memref<!tpu.dma_semaphore, #tpu.memory_space<semaphore_mem>>)
    %dma_start3A_117 = arith.constant 6 : i32
    %dma_start3A_118 = arith.constant 6 : i32
    %dma_start3A_119 = arith.constant 0 : i32
    %dma_start3A_120 = arith.constant 0 : i32
    %dma_start3A_121 = tpu.memref_slice %arg6[%dma_start3A_118, %dma_start3A_119, %dma_start3A_120] : memref<20x32x128xf32, #tpu.memory_space<vmem>> -> memref<1x32x128xf32, #tpu.memory_space<vmem>>
    %dma_start3A_122 = tpu.memref_squeeze %dma_start3A_121 : memref<1x32x128xf32, #tpu.memory_space<vmem>> -> memref<32x128xf32, #tpu.memory_space<vmem>>
    %dma_start3A_123 = tpu.memref_slice %arg5[%dma_start3A_117, %mul3A_36] : memref<20x128xi32, #tpu.memory_space<vmem>> -> memref<1x32xi32, #tpu.memory_space<vmem>>
    %dma_start3A_124 = tpu.memref_squeeze %dma_start3A_123 : memref<1x32xi32, #tpu.memory_space<vmem>> -> memref<32xi32, #tpu.memory_space<vmem>>
    %dma_start3A_125 = arith.constant 0 : i32
    %dma_start3A_126 = arith.constant 0 : i32
    %dma_start3A_127 = tpu.memref_slice %arg7[%dma_start3A_125, %dma_start3A_126] : memref<1000x128xf32, #tpu.memory_space<vmem_shared>> -> memref<1000x128xf32, #tpu.memory_space<vmem_shared>>
    tpu.enqueue_indirect_dma source(%dma_start3A_127 : memref<1000x128xf32, #tpu.memory_space<vmem_shared>>) target(%dma_start3A_122 : memref<32x128xf32, #tpu.memory_space<vmem>>) offsets(%dma_start3A_124 : memref<32xi32, #tpu.memory_space<vmem>>) semaphore(%arg14 : memref<!tpu.dma_semaphore, #tpu.memory_space<semaphore_mem>>)
    %dma_start3A_128 = arith.constant 7 : i32
    %dma_start3A_129 = arith.constant 7 : i32
    %dma_start3A_130 = arith.constant 0 : i32
    %dma_start3A_131 = arith.constant 0 : i32
    %dma_start3A_132 = tpu.memref_slice %arg6[%dma_start3A_129, %dma_start3A_130, %dma_start3A_131] : memref<20x32x128xf32, #tpu.memory_space<vmem>> -> memref<1x32x128xf32, #tpu.memory_space<vmem>>
    %dma_start3A_133 = tpu.memref_squeeze %dma_start3A_132 : memref<1x32x128xf32, #tpu.memory_space<vmem>> -> memref<32x128xf32, #tpu.memory_space<vmem>>
    %dma_start3A_134 = tpu.memref_slice %arg5[%dma_start3A_128, %mul3A_36] : memref<20x128xi32, #tpu.memory_space<vmem>> -> memref<1x32xi32, #tpu.memory_space<vmem>>
    %dma_start3A_135 = tpu.memref_squeeze %dma_start3A_134 : memref<1x32xi32, #tpu.memory_space<vmem>> -> memref<32xi32, #tpu.memory_space<vmem>>
    %dma_start3A_136 = arith.constant 0 : i32
    %dma_start3A_137 = arith.constant 0 : i32
    %dma_start3A_138 = tpu.memref_slice %arg7[%dma_start3A_136, %dma_start3A_137] : memref<1000x128xf32, #tpu.memory_space<vmem_shared>> -> memref<1000x128xf32, #tpu.memory_space<vmem_shared>>
    tpu.enqueue_indirect_dma source(%dma_start3A_138 : memref<1000x128xf32, #tpu.memory_space<vmem_shared>>) target(%dma_start3A_133 : memref<32x128xf32, #tpu.memory_space<vmem>>) offsets(%dma_start3A_135 : memref<32xi32, #tpu.memory_space<vmem>>) semaphore(%arg15 : memref<!tpu.dma_semaphore, #tpu.memory_space<semaphore_mem>>)
    %dma_start3A_139 = arith.constant 8 : i32
    %dma_start3A_140 = arith.constant 8 : i32
    %dma_start3A_141 = arith.constant 0 : i32
    %dma_start3A_142 = arith.constant 0 : i32
    %dma_start3A_143 = tpu.memref_slice %arg6[%dma_start3A_140, %dma_start3A_141, %dma_start3A_142] : memref<20x32x128xf32, #tpu.memory_space<vmem>> -> memref<1x32x128xf32, #tpu.memory_space<vmem>>
    %dma_start3A_144 = tpu.memref_squeeze %dma_start3A_143 : memref<1x32x128xf32, #tpu.memory_space<vmem>> -> memref<32x128xf32, #tpu.memory_space<vmem>>
    %dma_start3A_145 = tpu.memref_slice %arg5[%dma_start3A_139, %mul3A_36] : memref<20x128xi32, #tpu.memory_space<vmem>> -> memref<1x32xi32, #tpu.memory_space<vmem>>
    %dma_start3A_146 = tpu.memref_squeeze %dma_start3A_145 : memref<1x32xi32, #tpu.memory_space<vmem>> -> memref<32xi32, #tpu.memory_space<vmem>>
    %dma_start3A_147 = arith.constant 0 : i32
    %dma_start3A_148 = arith.constant 0 : i32
    %dma_start3A_149 = tpu.memref_slice %arg7[%dma_start3A_147, %dma_start3A_148] : memref<1000x128xf32, #tpu.memory_space<vmem_shared>> -> memref<1000x128xf32, #tpu.memory_space<vmem_shared>>
    tpu.enqueue_indirect_dma source(%dma_start3A_149 : memref<1000x128xf32, #tpu.memory_space<vmem_shared>>) target(%dma_start3A_144 : memref<32x128xf32, #tpu.memory_space<vmem>>) offsets(%dma_start3A_146 : memref<32xi32, #tpu.memory_space<vmem>>) semaphore(%arg16 : memref<!tpu.dma_semaphore, #tpu.memory_space<semaphore_mem>>)
    %dma_start3A_150 = arith.constant 9 : i32
    %dma_start3A_151 = arith.constant 9 : i32
    %dma_start3A_152 = arith.constant 0 : i32
    %dma_start3A_153 = arith.constant 0 : i32
    %dma_start3A_154 = tpu.memref_slice %arg6[%dma_start3A_151, %dma_start3A_152, %dma_start3A_153] : memref<20x32x128xf32, #tpu.memory_space<vmem>> -> memref<1x32x128xf32, #tpu.memory_space<vmem>>
    %dma_start3A_155 = tpu.memref_squeeze %dma_start3A_154 : memref<1x32x128xf32, #tpu.memory_space<vmem>> -> memref<32x128xf32, #tpu.memory_space<vmem>>
    %dma_start3A_156 = tpu.memref_slice %arg5[%dma_start3A_150, %mul3A_36] : memref<20x128xi32, #tpu.memory_space<vmem>> -> memref<1x32xi32, #tpu.memory_space<vmem>>
    %dma_start3A_157 = tpu.memref_squeeze %dma_start3A_156 : memref<1x32xi32, #tpu.memory_space<vmem>> -> memref<32xi32, #tpu.memory_space<vmem>>
    %dma_start3A_158 = arith.constant 0 : i32
    %dma_start3A_159 = arith.constant 0 : i32
    %dma_start3A_160 = tpu.memref_slice %arg7[%dma_start3A_158, %dma_start3A_159] : memref<1000x128xf32, #tpu.memory_space<vmem_shared>> -> memref<1000x128xf32, #tpu.memory_space<vmem_shared>>
    tpu.enqueue_indirect_dma source(%dma_start3A_160 : memref<1000x128xf32, #tpu.memory_space<vmem_shared>>) target(%dma_start3A_155 : memref<32x128xf32, #tpu.memory_space<vmem>>) offsets(%dma_start3A_157 : memref<32xi32, #tpu.memory_space<vmem>>) semaphore(%arg17 : memref<!tpu.dma_semaphore, #tpu.memory_space<semaphore_mem>>)
    %dma_start3A_161 = arith.constant 10 : i32
    %dma_start3A_162 = arith.constant 10 : i32
    %dma_start3A_163 = arith.constant 0 : i32
    %dma_start3A_164 = arith.constant 0 : i32
    %dma_start3A_165 = tpu.memref_slice %arg6[%dma_start3A_162, %dma_start3A_163, %dma_start3A_164] : memref<20x32x128xf32, #tpu.memory_space<vmem>> -> memref<1x32x128xf32, #tpu.memory_space<vmem>>
    %dma_start3A_166 = tpu.memref_squeeze %dma_start3A_165 : memref<1x32x128xf32, #tpu.memory_space<vmem>> -> memref<32x128xf32, #tpu.memory_space<vmem>>
    %dma_start3A_167 = tpu.memref_slice %arg5[%dma_start3A_161, %mul3A_36] : memref<20x128xi32, #tpu.memory_space<vmem>> -> memref<1x32xi32, #tpu.memory_space<vmem>>
    %dma_start3A_168 = tpu.memref_squeeze %dma_start3A_167 : memref<1x32xi32, #tpu.memory_space<vmem>> -> memref<32xi32, #tpu.memory_space<vmem>>
    %dma_start3A_169 = arith.constant 0 : i32
    %dma_start3A_170 = arith.constant 0 : i32
    %dma_start3A_171 = tpu.memref_slice %arg7[%dma_start3A_169, %dma_start3A_170] : memref<1000x128xf32, #tpu.memory_space<vmem_shared>> -> memref<1000x128xf32, #tpu.memory_space<vmem_shared>>
    tpu.enqueue_indirect_dma source(%dma_start3A_171 : memref<1000x128xf32, #tpu.memory_space<vmem_shared>>) target(%dma_start3A_166 : memref<32x128xf32, #tpu.memory_space<vmem>>) offsets(%dma_start3A_168 : memref<32xi32, #tpu.memory_space<vmem>>) semaphore(%arg18 : memref<!tpu.dma_semaphore, #tpu.memory_space<semaphore_mem>>)
    %dma_start3A_172 = arith.constant 11 : i32
    %dma_start3A_173 = arith.constant 11 : i32
    %dma_start3A_174 = arith.constant 0 : i32
    %dma_start3A_175 = arith.constant 0 : i32
    %dma_start3A_176 = tpu.memref_slice %arg6[%dma_start3A_173, %dma_start3A_174, %dma_start3A_175] : memref<20x32x128xf32, #tpu.memory_space<vmem>> -> memref<1x32x128xf32, #tpu.memory_space<vmem>>
    %dma_start3A_177 = tpu.memref_squeeze %dma_start3A_176 : memref<1x32x128xf32, #tpu.memory_space<vmem>> -> memref<32x128xf32, #tpu.memory_space<vmem>>
    %dma_start3A_178 = tpu.memref_slice %arg5[%dma_start3A_172, %mul3A_36] : memref<20x128xi32, #tpu.memory_space<vmem>> -> memref<1x32xi32, #tpu.memory_space<vmem>>
    %dma_start3A_179 = tpu.memref_squeeze %dma_start3A_178 : memref<1x32xi32, #tpu.memory_space<vmem>> -> memref<32xi32, #tpu.memory_space<vmem>>
    %dma_start3A_180 = arith.constant 0 : i32
    %dma_start3A_181 = arith.constant 0 : i32
    %dma_start3A_182 = tpu.memref_slice %arg7[%dma_start3A_180, %dma_start3A_181] : memref<1000x128xf32, #tpu.memory_space<vmem_shared>> -> memref<1000x128xf32, #tpu.memory_space<vmem_shared>>
    tpu.enqueue_indirect_dma source(%dma_start3A_182 : memref<1000x128xf32, #tpu.memory_space<vmem_shared>>) target(%dma_start3A_177 : memref<32x128xf32, #tpu.memory_space<vmem>>) offsets(%dma_start3A_179 : memref<32xi32, #tpu.memory_space<vmem>>) semaphore(%arg19 : memref<!tpu.dma_semaphore, #tpu.memory_space<semaphore_mem>>)
    %dma_start3A_183 = arith.constant 12 : i32
    %dma_start3A_184 = arith.constant 12 : i32
    %dma_start3A_185 = arith.constant 0 : i32
    %dma_start3A_186 = arith.constant 0 : i32
    %dma_start3A_187 = tpu.memref_slice %arg6[%dma_start3A_184, %dma_start3A_185, %dma_start3A_186] : memref<20x32x128xf32, #tpu.memory_space<vmem>> -> memref<1x32x128xf32, #tpu.memory_space<vmem>>
    %dma_start3A_188 = tpu.memref_squeeze %dma_start3A_187 : memref<1x32x128xf32, #tpu.memory_space<vmem>> -> memref<32x128xf32, #tpu.memory_space<vmem>>
    %dma_start3A_189 = tpu.memref_slice %arg5[%dma_start3A_183, %mul3A_36] : memref<20x128xi32, #tpu.memory_space<vmem>> -> memref<1x32xi32, #tpu.memory_space<vmem>>
    %dma_start3A_190 = tpu.memref_squeeze %dma_start3A_189 : memref<1x32xi32, #tpu.memory_space<vmem>> -> memref<32xi32, #tpu.memory_space<vmem>>
    %dma_start3A_191 = arith.constant 0 : i32
    %dma_start3A_192 = arith.constant 0 : i32
    %dma_start3A_193 = tpu.memref_slice %arg7[%dma_start3A_191, %dma_start3A_192] : memref<1000x128xf32, #tpu.memory_space<vmem_shared>> -> memref<1000x128xf32, #tpu.memory_space<vmem_shared>>
    tpu.enqueue_indirect_dma source(%dma_start3A_193 : memref<1000x128xf32, #tpu.memory_space<vmem_shared>>) target(%dma_start3A_188 : memref<32x128xf32, #tpu.memory_space<vmem>>) offsets(%dma_start3A_190 : memref<32xi32, #tpu.memory_space<vmem>>) semaphore(%arg20 : memref<!tpu.dma_semaphore, #tpu.memory_space<semaphore_mem>>)
    %dma_start3A_194 = arith.constant 13 : i32
    %dma_start3A_195 = arith.constant 13 : i32
    %dma_start3A_196 = arith.constant 0 : i32
    %dma_start3A_197 = arith.constant 0 : i32
    %dma_start3A_198 = tpu.memref_slice %arg6[%dma_start3A_195, %dma_start3A_196, %dma_start3A_197] : memref<20x32x128xf32, #tpu.memory_space<vmem>> -> memref<1x32x128xf32, #tpu.memory_space<vmem>>
    %dma_start3A_199 = tpu.memref_squeeze %dma_start3A_198 : memref<1x32x128xf32, #tpu.memory_space<vmem>> -> memref<32x128xf32, #tpu.memory_space<vmem>>
    %dma_start3A_200 = tpu.memref_slice %arg5[%dma_start3A_194, %mul3A_36] : memref<20x128xi32, #tpu.memory_space<vmem>> -> memref<1x32xi32, #tpu.memory_space<vmem>>
    %dma_start3A_201 = tpu.memref_squeeze %dma_start3A_200 : memref<1x32xi32, #tpu.memory_space<vmem>> -> memref<32xi32, #tpu.memory_space<vmem>>
    %dma_start3A_202 = arith.constant 0 : i32
    %dma_start3A_203 = arith.constant 0 : i32
    %dma_start3A_204 = tpu.memref_slice %arg7[%dma_start3A_202, %dma_start3A_203] : memref<1000x128xf32, #tpu.memory_space<vmem_shared>> -> memref<1000x128xf32, #tpu.memory_space<vmem_shared>>
    tpu.enqueue_indirect_dma source(%dma_start3A_204 : memref<1000x128xf32, #tpu.memory_space<vmem_shared>>) target(%dma_start3A_199 : memref<32x128xf32, #tpu.memory_space<vmem>>) offsets(%dma_start3A_201 : memref<32xi32, #tpu.memory_space<vmem>>) semaphore(%arg21 : memref<!tpu.dma_semaphore, #tpu.memory_space<semaphore_mem>>)
    %dma_start3A_205 = arith.constant 14 : i32
    %dma_start3A_206 = arith.constant 14 : i32
    %dma_start3A_207 = arith.constant 0 : i32
    %dma_start3A_208 = arith.constant 0 : i32
    %dma_start3A_209 = tpu.memref_slice %arg6[%dma_start3A_206, %dma_start3A_207, %dma_start3A_208] : memref<20x32x128xf32, #tpu.memory_space<vmem>> -> memref<1x32x128xf32, #tpu.memory_space<vmem>>
    %dma_start3A_210 = tpu.memref_squeeze %dma_start3A_209 : memref<1x32x128xf32, #tpu.memory_space<vmem>> -> memref<32x128xf32, #tpu.memory_space<vmem>>
    %dma_start3A_211 = tpu.memref_slice %arg5[%dma_start3A_205, %mul3A_36] : memref<20x128xi32, #tpu.memory_space<vmem>> -> memref<1x32xi32, #tpu.memory_space<vmem>>
    %dma_start3A_212 = tpu.memref_squeeze %dma_start3A_211 : memref<1x32xi32, #tpu.memory_space<vmem>> -> memref<32xi32, #tpu.memory_space<vmem>>
    %dma_start3A_213 = arith.constant 0 : i32
    %dma_start3A_214 = arith.constant 0 : i32
    %dma_start3A_215 = tpu.memref_slice %arg7[%dma_start3A_213, %dma_start3A_214] : memref<1000x128xf32, #tpu.memory_space<vmem_shared>> -> memref<1000x128xf32, #tpu.memory_space<vmem_shared>>
    tpu.enqueue_indirect_dma source(%dma_start3A_215 : memref<1000x128xf32, #tpu.memory_space<vmem_shared>>) target(%dma_start3A_210 : memref<32x128xf32, #tpu.memory_space<vmem>>) offsets(%dma_start3A_212 : memref<32xi32, #tpu.memory_space<vmem>>) semaphore(%arg22 : memref<!tpu.dma_semaphore, #tpu.memory_space<semaphore_mem>>)
    %dma_start3A_216 = arith.constant 15 : i32
    %dma_start3A_217 = arith.constant 15 : i32
    %dma_start3A_218 = arith.constant 0 : i32
    %dma_start3A_219 = arith.constant 0 : i32
    %dma_start3A_220 = tpu.memref_slice %arg6[%dma_start3A_217, %dma_start3A_218, %dma_start3A_219] : memref<20x32x128xf32, #tpu.memory_space<vmem>> -> memref<1x32x128xf32, #tpu.memory_space<vmem>>
    %dma_start3A_221 = tpu.memref_squeeze %dma_start3A_220 : memref<1x32x128xf32, #tpu.memory_space<vmem>> -> memref<32x128xf32, #tpu.memory_space<vmem>>
    %dma_start3A_222 = tpu.memref_slice %arg5[%dma_start3A_216, %mul3A_36] : memref<20x128xi32, #tpu.memory_space<vmem>> -> memref<1x32xi32, #tpu.memory_space<vmem>>
    %dma_start3A_223 = tpu.memref_squeeze %dma_start3A_222 : memref<1x32xi32, #tpu.memory_space<vmem>> -> memref<32xi32, #tpu.memory_space<vmem>>
    %dma_start3A_224 = arith.constant 0 : i32
    %dma_start3A_225 = arith.constant 0 : i32
    %dma_start3A_226 = tpu.memref_slice %arg7[%dma_start3A_224, %dma_start3A_225] : memref<1000x128xf32, #tpu.memory_space<vmem_shared>> -> memref<1000x128xf32, #tpu.memory_space<vmem_shared>>
    tpu.enqueue_indirect_dma source(%dma_start3A_226 : memref<1000x128xf32, #tpu.memory_space<vmem_shared>>) target(%dma_start3A_221 : memref<32x128xf32, #tpu.memory_space<vmem>>) offsets(%dma_start3A_223 : memref<32xi32, #tpu.memory_space<vmem>>) semaphore(%arg23 : memref<!tpu.dma_semaphore, #tpu.memory_space<semaphore_mem>>)
    %dma_start3A_227 = arith.constant 16 : i32
    %dma_start3A_228 = arith.constant 16 : i32
    %dma_start3A_229 = arith.constant 0 : i32
    %dma_start3A_230 = arith.constant 0 : i32
    %dma_start3A_231 = tpu.memref_slice %arg6[%dma_start3A_228, %dma_start3A_229, %dma_start3A_230] : memref<20x32x128xf32, #tpu.memory_space<vmem>> -> memref<1x32x128xf32, #tpu.memory_space<vmem>>
    %dma_start3A_232 = tpu.memref_squeeze %dma_start3A_231 : memref<1x32x128xf32, #tpu.memory_space<vmem>> -> memref<32x128xf32, #tpu.memory_space<vmem>>
    %dma_start3A_233 = tpu.memref_slice %arg5[%dma_start3A_227, %mul3A_36] : memref<20x128xi32, #tpu.memory_space<vmem>> -> memref<1x32xi32, #tpu.memory_space<vmem>>
    %dma_start3A_234 = tpu.memref_squeeze %dma_start3A_233 : memref<1x32xi32, #tpu.memory_space<vmem>> -> memref<32xi32, #tpu.memory_space<vmem>>
    %dma_start3A_235 = arith.constant 0 : i32
    %dma_start3A_236 = arith.constant 0 : i32
    %dma_start3A_237 = tpu.memref_slice %arg7[%dma_start3A_235, %dma_start3A_236] : memref<1000x128xf32, #tpu.memory_space<vmem_shared>> -> memref<1000x128xf32, #tpu.memory_space<vmem_shared>>
    tpu.enqueue_indirect_dma source(%dma_start3A_237 : memref<1000x128xf32, #tpu.memory_space<vmem_shared>>) target(%dma_start3A_232 : memref<32x128xf32, #tpu.memory_space<vmem>>) offsets(%dma_start3A_234 : memref<32xi32, #tpu.memory_space<vmem>>) semaphore(%arg24 : memref<!tpu.dma_semaphore, #tpu.memory_space<semaphore_mem>>)
    %dma_start3A_238 = arith.constant 17 : i32
    %dma_start3A_239 = arith.constant 17 : i32
    %dma_start3A_240 = arith.constant 0 : i32
    %dma_start3A_241 = arith.constant 0 : i32
    %dma_start3A_242 = tpu.memref_slice %arg6[%dma_start3A_239, %dma_start3A_240, %dma_start3A_241] : memref<20x32x128xf32, #tpu.memory_space<vmem>> -> memref<1x32x128xf32, #tpu.memory_space<vmem>>
    %dma_start3A_243 = tpu.memref_squeeze %dma_start3A_242 : memref<1x32x128xf32, #tpu.memory_space<vmem>> -> memref<32x128xf32, #tpu.memory_space<vmem>>
    %dma_start3A_244 = tpu.memref_slice %arg5[%dma_start3A_238, %mul3A_36] : memref<20x128xi32, #tpu.memory_space<vmem>> -> memref<1x32xi32, #tpu.memory_space<vmem>>
    %dma_start3A_245 = tpu.memref_squeeze %dma_start3A_244 : memref<1x32xi32, #tpu.memory_space<vmem>> -> memref<32xi32, #tpu.memory_space<vmem>>
    %dma_start3A_246 = arith.constant 0 : i32
    %dma_start3A_247 = arith.constant 0 : i32
    %dma_start3A_248 = tpu.memref_slice %arg7[%dma_start3A_246, %dma_start3A_247] : memref<1000x128xf32, #tpu.memory_space<vmem_shared>> -> memref<1000x128xf32, #tpu.memory_space<vmem_shared>>
    tpu.enqueue_indirect_dma source(%dma_start3A_248 : memref<1000x128xf32, #tpu.memory_space<vmem_shared>>) target(%dma_start3A_243 : memref<32x128xf32, #tpu.memory_space<vmem>>) offsets(%dma_start3A_245 : memref<32xi32, #tpu.memory_space<vmem>>) semaphore(%arg25 : memref<!tpu.dma_semaphore, #tpu.memory_space<semaphore_mem>>)
    %dma_start3A_249 = arith.constant 18 : i32
    %dma_start3A_250 = arith.constant 18 : i32
    %dma_start3A_251 = arith.constant 0 : i32
    %dma_start3A_252 = arith.constant 0 : i32
    %dma_start3A_253 = tpu.memref_slice %arg6[%dma_start3A_250, %dma_start3A_251, %dma_start3A_252] : memref<20x32x128xf32, #tpu.memory_space<vmem>> -> memref<1x32x128xf32, #tpu.memory_space<vmem>>
    %dma_start3A_254 = tpu.memref_squeeze %dma_start3A_253 : memref<1x32x128xf32, #tpu.memory_space<vmem>> -> memref<32x128xf32, #tpu.memory_space<vmem>>
    %dma_start3A_255 = tpu.memref_slice %arg5[%dma_start3A_249, %mul3A_36] : memref<20x128xi32, #tpu.memory_space<vmem>> -> memref<1x32xi32, #tpu.memory_space<vmem>>
    %dma_start3A_256 = tpu.memref_squeeze %dma_start3A_255 : memref<1x32xi32, #tpu.memory_space<vmem>> -> memref<32xi32, #tpu.memory_space<vmem>>
    %dma_start3A_257 = arith.constant 0 : i32
    %dma_start3A_258 = arith.constant 0 : i32
    %dma_start3A_259 = tpu.memref_slice %arg7[%dma_start3A_257, %dma_start3A_258] : memref<1000x128xf32, #tpu.memory_space<vmem_shared>> -> memref<1000x128xf32, #tpu.memory_space<vmem_shared>>
    tpu.enqueue_indirect_dma source(%dma_start3A_259 : memref<1000x128xf32, #tpu.memory_space<vmem_shared>>) target(%dma_start3A_254 : memref<32x128xf32, #tpu.memory_space<vmem>>) offsets(%dma_start3A_256 : memref<32xi32, #tpu.memory_space<vmem>>) semaphore(%arg26 : memref<!tpu.dma_semaphore, #tpu.memory_space<semaphore_mem>>)
    %dma_start3A_260 = arith.constant 19 : i32
    %dma_start3A_261 = arith.constant 19 : i32
    %dma_start3A_262 = arith.constant 0 : i32
    %dma_start3A_263 = arith.constant 0 : i32
    %dma_start3A_264 = tpu.memref_slice %arg6[%dma_start3A_261, %dma_start3A_262, %dma_start3A_263] : memref<20x32x128xf32, #tpu.memory_space<vmem>> -> memref<1x32x128xf32, #tpu.memory_space<vmem>>
    %dma_start3A_265 = tpu.memref_squeeze %dma_start3A_264 : memref<1x32x128xf32, #tpu.memory_space<vmem>> -> memref<32x128xf32, #tpu.memory_space<vmem>>
    %dma_start3A_266 = tpu.memref_slice %arg5[%dma_start3A_260, %mul3A_36] : memref<20x128xi32, #tpu.memory_space<vmem>> -> memref<1x32xi32, #tpu.memory_space<vmem>>
    %dma_start3A_267 = tpu.memref_squeeze %dma_start3A_266 : memref<1x32xi32, #tpu.memory_space<vmem>> -> memref<32xi32, #tpu.memory_space<vmem>>
    %dma_start3A_268 = arith.constant 0 : i32
    %dma_start3A_269 = arith.constant 0 : i32
    %dma_start3A_270 = tpu.memref_slice %arg7[%dma_start3A_268, %dma_start3A_269] : memref<1000x128xf32, #tpu.memory_space<vmem_shared>> -> memref<1000x128xf32, #tpu.memory_space<vmem_shared>>
    tpu.enqueue_indirect_dma source(%dma_start3A_270 : memref<1000x128xf32, #tpu.memory_space<vmem_shared>>) target(%dma_start3A_265 : memref<32x128xf32, #tpu.memory_space<vmem>>) offsets(%dma_start3A_267 : memref<32xi32, #tpu.memory_space<vmem>>) semaphore(%arg27 : memref<!tpu.dma_semaphore, #tpu.memory_space<semaphore_mem>>)
    %dma_wait3A_271 = arith.constant 0 : i32
    %dma_wait3A_272 = arith.constant 0 : i32
    %dma_wait3A_273 = arith.constant 0 : i32
    %dma_wait3A_274 = arith.constant 0 : i32
    %dma_wait3A_275 = tpu.memref_slice %arg6[%dma_wait3A_272, %dma_wait3A_273, %dma_wait3A_274] : memref<20x32x128xf32, #tpu.memory_space<vmem>> -> memref<1x32x128xf32, #tpu.memory_space<vmem>>
    %dma_wait3A_276 = tpu.memref_squeeze %dma_wait3A_275 : memref<1x32x128xf32, #tpu.memory_space<vmem>> -> memref<32x128xf32, #tpu.memory_space<vmem>>
    %dma_wait3A_277 = tpu.memref_slice %arg5[%dma_wait3A_271, %mul3A_36] : memref<20x128xi32, #tpu.memory_space<vmem>> -> memref<1x32xi32, #tpu.memory_space<vmem>>
    %dma_wait3A_278 = tpu.memref_squeeze %dma_wait3A_277 : memref<1x32xi32, #tpu.memory_space<vmem>> -> memref<32xi32, #tpu.memory_space<vmem>>
    %dma_wait3A_279 = arith.constant 0 : i32
    %dma_wait3A_280 = arith.constant 0 : i32
    %dma_wait3A_281 = tpu.memref_slice %arg7[%dma_wait3A_279, %dma_wait3A_280] : memref<1000x128xf32, #tpu.memory_space<vmem_shared>> -> memref<1000x128xf32, #tpu.memory_space<vmem_shared>>
    tpu.wait_indirect_dma semaphore(%arg8 : memref<!tpu.dma_semaphore, #tpu.memory_space<semaphore_mem>>) src(%dma_wait3A_281 : memref<1000x128xf32, #tpu.memory_space<vmem_shared>>) dst(%dma_wait3A_276 : memref<32x128xf32, #tpu.memory_space<vmem>>)
    %dma_wait3A_282 = arith.constant 1 : i32
    %dma_wait3A_283 = arith.constant 1 : i32
    %dma_wait3A_284 = arith.constant 0 : i32
    %dma_wait3A_285 = arith.constant 0 : i32
    %dma_wait3A_286 = tpu.memref_slice %arg6[%dma_wait3A_283, %dma_wait3A_284, %dma_wait3A_285] : memref<20x32x128xf32, #tpu.memory_space<vmem>> -> memref<1x32x128xf32, #tpu.memory_space<vmem>>
    %dma_wait3A_287 = tpu.memref_squeeze %dma_wait3A_286 : memref<1x32x128xf32, #tpu.memory_space<vmem>> -> memref<32x128xf32, #tpu.memory_space<vmem>>
    %dma_wait3A_288 = tpu.memref_slice %arg5[%dma_wait3A_282, %mul3A_36] : memref<20x128xi32, #tpu.memory_space<vmem>> -> memref<1x32xi32, #tpu.memory_space<vmem>>
    %dma_wait3A_289 = tpu.memref_squeeze %dma_wait3A_288 : memref<1x32xi32, #tpu.memory_space<vmem>> -> memref<32xi32, #tpu.memory_space<vmem>>
    %dma_wait3A_290 = arith.constant 0 : i32
    %dma_wait3A_291 = arith.constant 0 : i32
    %dma_wait3A_292 = tpu.memref_slice %arg7[%dma_wait3A_290, %dma_wait3A_291] : memref<1000x128xf32, #tpu.memory_space<vmem_shared>> -> memref<1000x128xf32, #tpu.memory_space<vmem_shared>>
    tpu.wait_indirect_dma semaphore(%arg9 : memref<!tpu.dma_semaphore, #tpu.memory_space<semaphore_mem>>) src(%dma_wait3A_292 : memref<1000x128xf32, #tpu.memory_space<vmem_shared>>) dst(%dma_wait3A_287 : memref<32x128xf32, #tpu.memory_space<vmem>>)
    %dma_start3A_293 = arith.constant 0 : i32
    %dma_start3A_294 = arith.constant 0 : i32
    %dma_start3A_295 = arith.constant 0 : i32
    %dma_start3A_296 = tpu.memref_slice %arg6[%dma_start3A_293, %dma_start3A_294, %dma_start3A_295] : memref<20x32x128xf32, #tpu.memory_space<vmem>> -> memref<2x32x128xf32, #tpu.memory_space<vmem>>
    %dma_start3A_297 = arith.constant 0 : i32
    %dma_start3A_298 = arith.constant 0 : i32
    %dma_start3A_299 = tpu.memref_slice %arg4[%dma_start3A_297, %mul3A_2, %dma_start3A_298] : memref<20x1024x128xf32, #tpu.memory_space<hbm>> -> memref<2x32x128xf32, #tpu.memory_space<hbm>>
    %dma_start3A_300 = arith.constant 0 : i32
    %dma_start3A_301 = arith.constant 0 : i32
    %dma_start3A_302 = tpu.memref_slice %arg4[%dma_start3A_300, %mul3A_2, %dma_start3A_301] : memref<20x1024x128xf32, #tpu.memory_space<hbm>> -> memref<2x32x128xf32, #tpu.memory_space<hbm>>
    %dma_start3A_303 = arith.constant 0 : i32
    %dma_start3A_304 = arith.constant 0 : i32
    %dma_start3A_305 = arith.constant 0 : i32
    %dma_start3A_306 = tpu.memref_slice %arg6[%dma_start3A_303, %dma_start3A_304, %dma_start3A_305] : memref<20x32x128xf32, #tpu.memory_space<vmem>> -> memref<2x32x128xf32, #tpu.memory_space<vmem>>
    tpu.enqueue_dma source(%dma_start3A_306 : memref<2x32x128xf32, #tpu.memory_space<vmem>>) target(%dma_start3A_302 : memref<2x32x128xf32, #tpu.memory_space<hbm>>) target_semaphore(%arg28 : memref<!tpu.dma_semaphore, #tpu.memory_space<semaphore_mem>>)
    %dma_wait3A_307 = arith.constant 2 : i32
    %dma_wait3A_308 = arith.constant 2 : i32
    %dma_wait3A_309 = arith.constant 0 : i32
    %dma_wait3A_310 = arith.constant 0 : i32
    %dma_wait3A_311 = tpu.memref_slice %arg6[%dma_wait3A_308, %dma_wait3A_309, %dma_wait3A_310] : memref<20x32x128xf32, #tpu.memory_space<vmem>> -> memref<1x32x128xf32, #tpu.memory_space<vmem>>
    %dma_wait3A_312 = tpu.memref_squeeze %dma_wait3A_311 : memref<1x32x128xf32, #tpu.memory_space<vmem>> -> memref<32x128xf32, #tpu.memory_space<vmem>>
    %dma_wait3A_313 = tpu.memref_slice %arg5[%dma_wait3A_307, %mul3A_36] : memref<20x128xi32, #tpu.memory_space<vmem>> -> memref<1x32xi32, #tpu.memory_space<vmem>>
    %dma_wait3A_314 = tpu.memref_squeeze %dma_wait3A_313 : memref<1x32xi32, #tpu.memory_space<vmem>> -> memref<32xi32, #tpu.memory_space<vmem>>
    %dma_wait3A_315 = arith.constant 0 : i32
    %dma_wait3A_316 = arith.constant 0 : i32
    %dma_wait3A_317 = tpu.memref_slice %arg7[%dma_wait3A_315, %dma_wait3A_316] : memref<1000x128xf32, #tpu.memory_space<vmem_shared>> -> memref<1000x128xf32, #tpu.memory_space<vmem_shared>>
    tpu.wait_indirect_dma semaphore(%arg10 : memref<!tpu.dma_semaphore, #tpu.memory_space<semaphore_mem>>) src(%dma_wait3A_317 : memref<1000x128xf32, #tpu.memory_space<vmem_shared>>) dst(%dma_wait3A_312 : memref<32x128xf32, #tpu.memory_space<vmem>>)
    %dma_wait3A_318 = arith.constant 3 : i32
    %dma_wait3A_319 = arith.constant 3 : i32
    %dma_wait3A_320 = arith.constant 0 : i32
    %dma_wait3A_321 = arith.constant 0 : i32
    %dma_wait3A_322 = tpu.memref_slice %arg6[%dma_wait3A_319, %dma_wait3A_320, %dma_wait3A_321] : memref<20x32x128xf32, #tpu.memory_space<vmem>> -> memref<1x32x128xf32, #tpu.memory_space<vmem>>
    %dma_wait3A_323 = tpu.memref_squeeze %dma_wait3A_322 : memref<1x32x128xf32, #tpu.memory_space<vmem>> -> memref<32x128xf32, #tpu.memory_space<vmem>>
    %dma_wait3A_324 = tpu.memref_slice %arg5[%dma_wait3A_318, %mul3A_36] : memref<20x128xi32, #tpu.memory_space<vmem>> -> memref<1x32xi32, #tpu.memory_space<vmem>>
    %dma_wait3A_325 = tpu.memref_squeeze %dma_wait3A_324 : memref<1x32xi32, #tpu.memory_space<vmem>> -> memref<32xi32, #tpu.memory_space<vmem>>
    %dma_wait3A_326 = arith.constant 0 : i32
    %dma_wait3A_327 = arith.constant 0 : i32
    %dma_wait3A_328 = tpu.memref_slice %arg7[%dma_wait3A_326, %dma_wait3A_327] : memref<1000x128xf32, #tpu.memory_space<vmem_shared>> -> memref<1000x128xf32, #tpu.memory_space<vmem_shared>>
    tpu.wait_indirect_dma semaphore(%arg11 : memref<!tpu.dma_semaphore, #tpu.memory_space<semaphore_mem>>) src(%dma_wait3A_328 : memref<1000x128xf32, #tpu.memory_space<vmem_shared>>) dst(%dma_wait3A_323 : memref<32x128xf32, #tpu.memory_space<vmem>>)
    %dma_start3A_329 = arith.constant 2 : i32
    %dma_start3A_330 = arith.constant 0 : i32
    %dma_start3A_331 = arith.constant 0 : i32
    %dma_start3A_332 = tpu.memref_slice %arg6[%dma_start3A_329, %dma_start3A_330, %dma_start3A_331] : memref<20x32x128xf32, #tpu.memory_space<vmem>> -> memref<2x32x128xf32, #tpu.memory_space<vmem>>
    %dma_start3A_333 = arith.constant 2 : i32
    %dma_start3A_334 = arith.constant 0 : i32
    %dma_start3A_335 = tpu.memref_slice %arg4[%dma_start3A_333, %mul3A_2, %dma_start3A_334] : memref<20x1024x128xf32, #tpu.memory_space<hbm>> -> memref<2x32x128xf32, #tpu.memory_space<hbm>>
    %dma_start3A_336 = arith.constant 2 : i32
    %dma_start3A_337 = arith.constant 0 : i32
    %dma_start3A_338 = tpu.memref_slice %arg4[%dma_start3A_336, %mul3A_2, %dma_start3A_337] : memref<20x1024x128xf32, #tpu.memory_space<hbm>> -> memref<2x32x128xf32, #tpu.memory_space<hbm>>
    %dma_start3A_339 = arith.constant 2 : i32
    %dma_start3A_340 = arith.constant 0 : i32
    %dma_start3A_341 = arith.constant 0 : i32
    %dma_start3A_342 = tpu.memref_slice %arg6[%dma_start3A_339, %dma_start3A_340, %dma_start3A_341] : memref<20x32x128xf32, #tpu.memory_space<vmem>> -> memref<2x32x128xf32, #tpu.memory_space<vmem>>
    tpu.enqueue_dma source(%dma_start3A_342 : memref<2x32x128xf32, #tpu.memory_space<vmem>>) target(%dma_start3A_338 : memref<2x32x128xf32, #tpu.memory_space<hbm>>) target_semaphore(%arg28 : memref<!tpu.dma_semaphore, #tpu.memory_space<semaphore_mem>>)
    %dma_wait3A_343 = arith.constant 4 : i32
    %dma_wait3A_344 = arith.constant 4 : i32
    %dma_wait3A_345 = arith.constant 0 : i32
    %dma_wait3A_346 = arith.constant 0 : i32
    %dma_wait3A_347 = tpu.memref_slice %arg6[%dma_wait3A_344, %dma_wait3A_345, %dma_wait3A_346] : memref<20x32x128xf32, #tpu.memory_space<vmem>> -> memref<1x32x128xf32, #tpu.memory_space<vmem>>
    %dma_wait3A_348 = tpu.memref_squeeze %dma_wait3A_347 : memref<1x32x128xf32, #tpu.memory_space<vmem>> -> memref<32x128xf32, #tpu.memory_space<vmem>>
    %dma_wait3A_349 = tpu.memref_slice %arg5[%dma_wait3A_343, %mul3A_36] : memref<20x128xi32, #tpu.memory_space<vmem>> -> memref<1x32xi32, #tpu.memory_space<vmem>>
    %dma_wait3A_350 = tpu.memref_squeeze %dma_wait3A_349 : memref<1x32xi32, #tpu.memory_space<vmem>> -> memref<32xi32, #tpu.memory_space<vmem>>
    %dma_wait3A_351 = arith.constant 0 : i32
    %dma_wait3A_352 = arith.constant 0 : i32
    %dma_wait3A_353 = tpu.memref_slice %arg7[%dma_wait3A_351, %dma_wait3A_352] : memref<1000x128xf32, #tpu.memory_space<vmem_shared>> -> memref<1000x128xf32, #tpu.memory_space<vmem_shared>>
    tpu.wait_indirect_dma semaphore(%arg12 : memref<!tpu.dma_semaphore, #tpu.memory_space<semaphore_mem>>) src(%dma_wait3A_353 : memref<1000x128xf32, #tpu.memory_space<vmem_shared>>) dst(%dma_wait3A_348 : memref<32x128xf32, #tpu.memory_space<vmem>>)
    %dma_wait3A_354 = arith.constant 5 : i32
    %dma_wait3A_355 = arith.constant 5 : i32
    %dma_wait3A_356 = arith.constant 0 : i32
    %dma_wait3A_357 = arith.constant 0 : i32
    %dma_wait3A_358 = tpu.memref_slice %arg6[%dma_wait3A_355, %dma_wait3A_356, %dma_wait3A_357] : memref<20x32x128xf32, #tpu.memory_space<vmem>> -> memref<1x32x128xf32, #tpu.memory_space<vmem>>
    %dma_wait3A_359 = tpu.memref_squeeze %dma_wait3A_358 : memref<1x32x128xf32, #tpu.memory_space<vmem>> -> memref<32x128xf32, #tpu.memory_space<vmem>>
    %dma_wait3A_360 = tpu.memref_slice %arg5[%dma_wait3A_354, %mul3A_36] : memref<20x128xi32, #tpu.memory_space<vmem>> -> memref<1x32xi32, #tpu.memory_space<vmem>>
    %dma_wait3A_361 = tpu.memref_squeeze %dma_wait3A_360 : memref<1x32xi32, #tpu.memory_space<vmem>> -> memref<32xi32, #tpu.memory_space<vmem>>
    %dma_wait3A_362 = arith.constant 0 : i32
    %dma_wait3A_363 = arith.constant 0 : i32
    %dma_wait3A_364 = tpu.memref_slice %arg7[%dma_wait3A_362, %dma_wait3A_363] : memref<1000x128xf32, #tpu.memory_space<vmem_shared>> -> memref<1000x128xf32, #tpu.memory_space<vmem_shared>>
    tpu.wait_indirect_dma semaphore(%arg13 : memref<!tpu.dma_semaphore, #tpu.memory_space<semaphore_mem>>) src(%dma_wait3A_364 : memref<1000x128xf32, #tpu.memory_space<vmem_shared>>) dst(%dma_wait3A_359 : memref<32x128xf32, #tpu.memory_space<vmem>>)
    %dma_start3A_365 = arith.constant 4 : i32
    %dma_start3A_366 = arith.constant 0 : i32
    %dma_start3A_367 = arith.constant 0 : i32
    %dma_start3A_368 = tpu.memref_slice %arg6[%dma_start3A_365, %dma_start3A_366, %dma_start3A_367] : memref<20x32x128xf32, #tpu.memory_space<vmem>> -> memref<2x32x128xf32, #tpu.memory_space<vmem>>
    %dma_start3A_369 = arith.constant 4 : i32
    %dma_start3A_370 = arith.constant 0 : i32
    %dma_start3A_371 = tpu.memref_slice %arg4[%dma_start3A_369, %mul3A_2, %dma_start3A_370] : memref<20x1024x128xf32, #tpu.memory_space<hbm>> -> memref<2x32x128xf32, #tpu.memory_space<hbm>>
    %dma_start3A_372 = arith.constant 4 : i32
    %dma_start3A_373 = arith.constant 0 : i32
    %dma_start3A_374 = tpu.memref_slice %arg4[%dma_start3A_372, %mul3A_2, %dma_start3A_373] : memref<20x1024x128xf32, #tpu.memory_space<hbm>> -> memref<2x32x128xf32, #tpu.memory_space<hbm>>
    %dma_start3A_375 = arith.constant 4 : i32
    %dma_start3A_376 = arith.constant 0 : i32
    %dma_start3A_377 = arith.constant 0 : i32
    %dma_start3A_378 = tpu.memref_slice %arg6[%dma_start3A_375, %dma_start3A_376, %dma_start3A_377] : memref<20x32x128xf32, #tpu.memory_space<vmem>> -> memref<2x32x128xf32, #tpu.memory_space<vmem>>
    tpu.enqueue_dma source(%dma_start3A_378 : memref<2x32x128xf32, #tpu.memory_space<vmem>>) target(%dma_start3A_374 : memref<2x32x128xf32, #tpu.memory_space<hbm>>) target_semaphore(%arg28 : memref<!tpu.dma_semaphore, #tpu.memory_space<semaphore_mem>>)
    %dma_wait3A_379 = arith.constant 6 : i32
    %dma_wait3A_380 = arith.constant 6 : i32
    %dma_wait3A_381 = arith.constant 0 : i32
    %dma_wait3A_382 = arith.constant 0 : i32
    %dma_wait3A_383 = tpu.memref_slice %arg6[%dma_wait3A_380, %dma_wait3A_381, %dma_wait3A_382] : memref<20x32x128xf32, #tpu.memory_space<vmem>> -> memref<1x32x128xf32, #tpu.memory_space<vmem>>
    %dma_wait3A_384 = tpu.memref_squeeze %dma_wait3A_383 : memref<1x32x128xf32, #tpu.memory_space<vmem>> -> memref<32x128xf32, #tpu.memory_space<vmem>>
    %dma_wait3A_385 = tpu.memref_slice %arg5[%dma_wait3A_379, %mul3A_36] : memref<20x128xi32, #tpu.memory_space<vmem>> -> memref<1x32xi32, #tpu.memory_space<vmem>>
    %dma_wait3A_386 = tpu.memref_squeeze %dma_wait3A_385 : memref<1x32xi32, #tpu.memory_space<vmem>> -> memref<32xi32, #tpu.memory_space<vmem>>
    %dma_wait3A_387 = arith.constant 0 : i32
    %dma_wait3A_388 = arith.constant 0 : i32
    %dma_wait3A_389 = tpu.memref_slice %arg7[%dma_wait3A_387, %dma_wait3A_388] : memref<1000x128xf32, #tpu.memory_space<vmem_shared>> -> memref<1000x128xf32, #tpu.memory_space<vmem_shared>>
    tpu.wait_indirect_dma semaphore(%arg14 : memref<!tpu.dma_semaphore, #tpu.memory_space<semaphore_mem>>) src(%dma_wait3A_389 : memref<1000x128xf32, #tpu.memory_space<vmem_shared>>) dst(%dma_wait3A_384 : memref<32x128xf32, #tpu.memory_space<vmem>>)
    %dma_wait3A_390 = arith.constant 7 : i32
    %dma_wait3A_391 = arith.constant 7 : i32
    %dma_wait3A_392 = arith.constant 0 : i32
    %dma_wait3A_393 = arith.constant 0 : i32
    %dma_wait3A_394 = tpu.memref_slice %arg6[%dma_wait3A_391, %dma_wait3A_392, %dma_wait3A_393] : memref<20x32x128xf32, #tpu.memory_space<vmem>> -> memref<1x32x128xf32, #tpu.memory_space<vmem>>
    %dma_wait3A_395 = tpu.memref_squeeze %dma_wait3A_394 : memref<1x32x128xf32, #tpu.memory_space<vmem>> -> memref<32x128xf32, #tpu.memory_space<vmem>>
    %dma_wait3A_396 = tpu.memref_slice %arg5[%dma_wait3A_390, %mul3A_36] : memref<20x128xi32, #tpu.memory_space<vmem>> -> memref<1x32xi32, #tpu.memory_space<vmem>>
    %dma_wait3A_397 = tpu.memref_squeeze %dma_wait3A_396 : memref<1x32xi32, #tpu.memory_space<vmem>> -> memref<32xi32, #tpu.memory_space<vmem>>
    %dma_wait3A_398 = arith.constant 0 : i32
    %dma_wait3A_399 = arith.constant 0 : i32
    %dma_wait3A_400 = tpu.memref_slice %arg7[%dma_wait3A_398, %dma_wait3A_399] : memref<1000x128xf32, #tpu.memory_space<vmem_shared>> -> memref<1000x128xf32, #tpu.memory_space<vmem_shared>>
    tpu.wait_indirect_dma semaphore(%arg15 : memref<!tpu.dma_semaphore, #tpu.memory_space<semaphore_mem>>) src(%dma_wait3A_400 : memref<1000x128xf32, #tpu.memory_space<vmem_shared>>) dst(%dma_wait3A_395 : memref<32x128xf32, #tpu.memory_space<vmem>>)
    %dma_start3A_401 = arith.constant 6 : i32
    %dma_start3A_402 = arith.constant 0 : i32
    %dma_start3A_403 = arith.constant 0 : i32
    %dma_start3A_404 = tpu.memref_slice %arg6[%dma_start3A_401, %dma_start3A_402, %dma_start3A_403] : memref<20x32x128xf32, #tpu.memory_space<vmem>> -> memref<2x32x128xf32, #tpu.memory_space<vmem>>
    %dma_start3A_405 = arith.constant 6 : i32
    %dma_start3A_406 = arith.constant 0 : i32
    %dma_start3A_407 = tpu.memref_slice %arg4[%dma_start3A_405, %mul3A_2, %dma_start3A_406] : memref<20x1024x128xf32, #tpu.memory_space<hbm>> -> memref<2x32x128xf32, #tpu.memory_space<hbm>>
    %dma_start3A_408 = arith.constant 6 : i32
    %dma_start3A_409 = arith.constant 0 : i32
    %dma_start3A_410 = tpu.memref_slice %arg4[%dma_start3A_408, %mul3A_2, %dma_start3A_409] : memref<20x1024x128xf32, #tpu.memory_space<hbm>> -> memref<2x32x128xf32, #tpu.memory_space<hbm>>
    %dma_start3A_411 = arith.constant 6 : i32
    %dma_start3A_412 = arith.constant 0 : i32
    %dma_start3A_413 = arith.constant 0 : i32
    %dma_start3A_414 = tpu.memref_slice %arg6[%dma_start3A_411, %dma_start3A_412, %dma_start3A_413] : memref<20x32x128xf32, #tpu.memory_space<vmem>> -> memref<2x32x128xf32, #tpu.memory_space<vmem>>
    tpu.enqueue_dma source(%dma_start3A_414 : memref<2x32x128xf32, #tpu.memory_space<vmem>>) target(%dma_start3A_410 : memref<2x32x128xf32, #tpu.memory_space<hbm>>) target_semaphore(%arg28 : memref<!tpu.dma_semaphore, #tpu.memory_space<semaphore_mem>>)
    %dma_wait3A_415 = arith.constant 8 : i32
    %dma_wait3A_416 = arith.constant 8 : i32
    %dma_wait3A_417 = arith.constant 0 : i32
    %dma_wait3A_418 = arith.constant 0 : i32
    %dma_wait3A_419 = tpu.memref_slice %arg6[%dma_wait3A_416, %dma_wait3A_417, %dma_wait3A_418] : memref<20x32x128xf32, #tpu.memory_space<vmem>> -> memref<1x32x128xf32, #tpu.memory_space<vmem>>
    %dma_wait3A_420 = tpu.memref_squeeze %dma_wait3A_419 : memref<1x32x128xf32, #tpu.memory_space<vmem>> -> memref<32x128xf32, #tpu.memory_space<vmem>>
    %dma_wait3A_421 = tpu.memref_slice %arg5[%dma_wait3A_415, %mul3A_36] : memref<20x128xi32, #tpu.memory_space<vmem>> -> memref<1x32xi32, #tpu.memory_space<vmem>>
    %dma_wait3A_422 = tpu.memref_squeeze %dma_wait3A_421 : memref<1x32xi32, #tpu.memory_space<vmem>> -> memref<32xi32, #tpu.memory_space<vmem>>
    %dma_wait3A_423 = arith.constant 0 : i32
    %dma_wait3A_424 = arith.constant 0 : i32
    %dma_wait3A_425 = tpu.memref_slice %arg7[%dma_wait3A_423, %dma_wait3A_424] : memref<1000x128xf32, #tpu.memory_space<vmem_shared>> -> memref<1000x128xf32, #tpu.memory_space<vmem_shared>>
    tpu.wait_indirect_dma semaphore(%arg16 : memref<!tpu.dma_semaphore, #tpu.memory_space<semaphore_mem>>) src(%dma_wait3A_425 : memref<1000x128xf32, #tpu.memory_space<vmem_shared>>) dst(%dma_wait3A_420 : memref<32x128xf32, #tpu.memory_space<vmem>>)
    %dma_wait3A_426 = arith.constant 9 : i32
    %dma_wait3A_427 = arith.constant 9 : i32
    %dma_wait3A_428 = arith.constant 0 : i32
    %dma_wait3A_429 = arith.constant 0 : i32
    %dma_wait3A_430 = tpu.memref_slice %arg6[%dma_wait3A_427, %dma_wait3A_428, %dma_wait3A_429] : memref<20x32x128xf32, #tpu.memory_space<vmem>> -> memref<1x32x128xf32, #tpu.memory_space<vmem>>
    %dma_wait3A_431 = tpu.memref_squeeze %dma_wait3A_430 : memref<1x32x128xf32, #tpu.memory_space<vmem>> -> memref<32x128xf32, #tpu.memory_space<vmem>>
    %dma_wait3A_432 = tpu.memref_slice %arg5[%dma_wait3A_426, %mul3A_36] : memref<20x128xi32, #tpu.memory_space<vmem>> -> memref<1x32xi32, #tpu.memory_space<vmem>>
    %dma_wait3A_433 = tpu.memref_squeeze %dma_wait3A_432 : memref<1x32xi32, #tpu.memory_space<vmem>> -> memref<32xi32, #tpu.memory_space<vmem>>
    %dma_wait3A_434 = arith.constant 0 : i32
    %dma_wait3A_435 = arith.constant 0 : i32
    %dma_wait3A_436 = tpu.memref_slice %arg7[%dma_wait3A_434, %dma_wait3A_435] : memref<1000x128xf32, #tpu.memory_space<vmem_shared>> -> memref<1000x128xf32, #tpu.memory_space<vmem_shared>>
    tpu.wait_indirect_dma semaphore(%arg17 : memref<!tpu.dma_semaphore, #tpu.memory_space<semaphore_mem>>) src(%dma_wait3A_436 : memref<1000x128xf32, #tpu.memory_space<vmem_shared>>) dst(%dma_wait3A_431 : memref<32x128xf32, #tpu.memory_space<vmem>>)
    %dma_start3A_437 = arith.constant 8 : i32
    %dma_start3A_438 = arith.constant 0 : i32
    %dma_start3A_439 = arith.constant 0 : i32
    %dma_start3A_440 = tpu.memref_slice %arg6[%dma_start3A_437, %dma_start3A_438, %dma_start3A_439] : memref<20x32x128xf32, #tpu.memory_space<vmem>> -> memref<2x32x128xf32, #tpu.memory_space<vmem>>
    %dma_start3A_441 = arith.constant 8 : i32
    %dma_start3A_442 = arith.constant 0 : i32
    %dma_start3A_443 = tpu.memref_slice %arg4[%dma_start3A_441, %mul3A_2, %dma_start3A_442] : memref<20x1024x128xf32, #tpu.memory_space<hbm>> -> memref<2x32x128xf32, #tpu.memory_space<hbm>>
    %dma_start3A_444 = arith.constant 8 : i32
    %dma_start3A_445 = arith.constant 0 : i32
    %dma_start3A_446 = tpu.memref_slice %arg4[%dma_start3A_444, %mul3A_2, %dma_start3A_445] : memref<20x1024x128xf32, #tpu.memory_space<hbm>> -> memref<2x32x128xf32, #tpu.memory_space<hbm>>
    %dma_start3A_447 = arith.constant 8 : i32
    %dma_start3A_448 = arith.constant 0 : i32
    %dma_start3A_449 = arith.constant 0 : i32
    %dma_start3A_450 = tpu.memref_slice %arg6[%dma_start3A_447, %dma_start3A_448, %dma_start3A_449] : memref<20x32x128xf32, #tpu.memory_space<vmem>> -> memref<2x32x128xf32, #tpu.memory_space<vmem>>
    tpu.enqueue_dma source(%dma_start3A_450 : memref<2x32x128xf32, #tpu.memory_space<vmem>>) target(%dma_start3A_446 : memref<2x32x128xf32, #tpu.memory_space<hbm>>) target_semaphore(%arg28 : memref<!tpu.dma_semaphore, #tpu.memory_space<semaphore_mem>>)
    %dma_wait3A_451 = arith.constant 10 : i32
    %dma_wait3A_452 = arith.constant 10 : i32
    %dma_wait3A_453 = arith.constant 0 : i32
    %dma_wait3A_454 = arith.constant 0 : i32
    %dma_wait3A_455 = tpu.memref_slice %arg6[%dma_wait3A_452, %dma_wait3A_453, %dma_wait3A_454] : memref<20x32x128xf32, #tpu.memory_space<vmem>> -> memref<1x32x128xf32, #tpu.memory_space<vmem>>
    %dma_wait3A_456 = tpu.memref_squeeze %dma_wait3A_455 : memref<1x32x128xf32, #tpu.memory_space<vmem>> -> memref<32x128xf32, #tpu.memory_space<vmem>>
    %dma_wait3A_457 = tpu.memref_slice %arg5[%dma_wait3A_451, %mul3A_36] : memref<20x128xi32, #tpu.memory_space<vmem>> -> memref<1x32xi32, #tpu.memory_space<vmem>>
    %dma_wait3A_458 = tpu.memref_squeeze %dma_wait3A_457 : memref<1x32xi32, #tpu.memory_space<vmem>> -> memref<32xi32, #tpu.memory_space<vmem>>
    %dma_wait3A_459 = arith.constant 0 : i32
    %dma_wait3A_460 = arith.constant 0 : i32
    %dma_wait3A_461 = tpu.memref_slice %arg7[%dma_wait3A_459, %dma_wait3A_460] : memref<1000x128xf32, #tpu.memory_space<vmem_shared>> -> memref<1000x128xf32, #tpu.memory_space<vmem_shared>>
    tpu.wait_indirect_dma semaphore(%arg18 : memref<!tpu.dma_semaphore, #tpu.memory_space<semaphore_mem>>) src(%dma_wait3A_461 : memref<1000x128xf32, #tpu.memory_space<vmem_shared>>) dst(%dma_wait3A_456 : memref<32x128xf32, #tpu.memory_space<vmem>>)
    %dma_wait3A_462 = arith.constant 11 : i32
    %dma_wait3A_463 = arith.constant 11 : i32
    %dma_wait3A_464 = arith.constant 0 : i32
    %dma_wait3A_465 = arith.constant 0 : i32
    %dma_wait3A_466 = tpu.memref_slice %arg6[%dma_wait3A_463, %dma_wait3A_464, %dma_wait3A_465] : memref<20x32x128xf32, #tpu.memory_space<vmem>> -> memref<1x32x128xf32, #tpu.memory_space<vmem>>
    %dma_wait3A_467 = tpu.memref_squeeze %dma_wait3A_466 : memref<1x32x128xf32, #tpu.memory_space<vmem>> -> memref<32x128xf32, #tpu.memory_space<vmem>>
    %dma_wait3A_468 = tpu.memref_slice %arg5[%dma_wait3A_462, %mul3A_36] : memref<20x128xi32, #tpu.memory_space<vmem>> -> memref<1x32xi32, #tpu.memory_space<vmem>>
    %dma_wait3A_469 = tpu.memref_squeeze %dma_wait3A_468 : memref<1x32xi32, #tpu.memory_space<vmem>> -> memref<32xi32, #tpu.memory_space<vmem>>
    %dma_wait3A_470 = arith.constant 0 : i32
    %dma_wait3A_471 = arith.constant 0 : i32
    %dma_wait3A_472 = tpu.memref_slice %arg7[%dma_wait3A_470, %dma_wait3A_471] : memref<1000x128xf32, #tpu.memory_space<vmem_shared>> -> memref<1000x128xf32, #tpu.memory_space<vmem_shared>>
    tpu.wait_indirect_dma semaphore(%arg19 : memref<!tpu.dma_semaphore, #tpu.memory_space<semaphore_mem>>) src(%dma_wait3A_472 : memref<1000x128xf32, #tpu.memory_space<vmem_shared>>) dst(%dma_wait3A_467 : memref<32x128xf32, #tpu.memory_space<vmem>>)
    %dma_start3A_473 = arith.constant 10 : i32
    %dma_start3A_474 = arith.constant 0 : i32
    %dma_start3A_475 = arith.constant 0 : i32
    %dma_start3A_476 = tpu.memref_slice %arg6[%dma_start3A_473, %dma_start3A_474, %dma_start3A_475] : memref<20x32x128xf32, #tpu.memory_space<vmem>> -> memref<2x32x128xf32, #tpu.memory_space<vmem>>
    %dma_start3A_477 = arith.constant 10 : i32
    %dma_start3A_478 = arith.constant 0 : i32
    %dma_start3A_479 = tpu.memref_slice %arg4[%dma_start3A_477, %mul3A_2, %dma_start3A_478] : memref<20x1024x128xf32, #tpu.memory_space<hbm>> -> memref<2x32x128xf32, #tpu.memory_space<hbm>>
    %dma_start3A_480 = arith.constant 10 : i32
    %dma_start3A_481 = arith.constant 0 : i32
    %dma_start3A_482 = tpu.memref_slice %arg4[%dma_start3A_480, %mul3A_2, %dma_start3A_481] : memref<20x1024x128xf32, #tpu.memory_space<hbm>> -> memref<2x32x128xf32, #tpu.memory_space<hbm>>
    %dma_start3A_483 = arith.constant 10 : i32
    %dma_start3A_484 = arith.constant 0 : i32
    %dma_start3A_485 = arith.constant 0 : i32
    %dma_start3A_486 = tpu.memref_slice %arg6[%dma_start3A_483, %dma_start3A_484, %dma_start3A_485] : memref<20x32x128xf32, #tpu.memory_space<vmem>> -> memref<2x32x128xf32, #tpu.memory_space<vmem>>
    tpu.enqueue_dma source(%dma_start3A_486 : memref<2x32x128xf32, #tpu.memory_space<vmem>>) target(%dma_start3A_482 : memref<2x32x128xf32, #tpu.memory_space<hbm>>) target_semaphore(%arg28 : memref<!tpu.dma_semaphore, #tpu.memory_space<semaphore_mem>>)
    %dma_wait3A_487 = arith.constant 12 : i32
    %dma_wait3A_488 = arith.constant 12 : i32
    %dma_wait3A_489 = arith.constant 0 : i32
    %dma_wait3A_490 = arith.constant 0 : i32
    %dma_wait3A_491 = tpu.memref_slice %arg6[%dma_wait3A_488, %dma_wait3A_489, %dma_wait3A_490] : memref<20x32x128xf32, #tpu.memory_space<vmem>> -> memref<1x32x128xf32, #tpu.memory_space<vmem>>
    %dma_wait3A_492 = tpu.memref_squeeze %dma_wait3A_491 : memref<1x32x128xf32, #tpu.memory_space<vmem>> -> memref<32x128xf32, #tpu.memory_space<vmem>>
    %dma_wait3A_493 = tpu.memref_slice %arg5[%dma_wait3A_487, %mul3A_36] : memref<20x128xi32, #tpu.memory_space<vmem>> -> memref<1x32xi32, #tpu.memory_space<vmem>>
    %dma_wait3A_494 = tpu.memref_squeeze %dma_wait3A_493 : memref<1x32xi32, #tpu.memory_space<vmem>> -> memref<32xi32, #tpu.memory_space<vmem>>
    %dma_wait3A_495 = arith.constant 0 : i32
    %dma_wait3A_496 = arith.constant 0 : i32
    %dma_wait3A_497 = tpu.memref_slice %arg7[%dma_wait3A_495, %dma_wait3A_496] : memref<1000x128xf32, #tpu.memory_space<vmem_shared>> -> memref<1000x128xf32, #tpu.memory_space<vmem_shared>>
    tpu.wait_indirect_dma semaphore(%arg20 : memref<!tpu.dma_semaphore, #tpu.memory_space<semaphore_mem>>) src(%dma_wait3A_497 : memref<1000x128xf32, #tpu.memory_space<vmem_shared>>) dst(%dma_wait3A_492 : memref<32x128xf32, #tpu.memory_space<vmem>>)
    %dma_wait3A_498 = arith.constant 13 : i32
    %dma_wait3A_499 = arith.constant 13 : i32
    %dma_wait3A_500 = arith.constant 0 : i32
    %dma_wait3A_501 = arith.constant 0 : i32
    %dma_wait3A_502 = tpu.memref_slice %arg6[%dma_wait3A_499, %dma_wait3A_500, %dma_wait3A_501] : memref<20x32x128xf32, #tpu.memory_space<vmem>> -> memref<1x32x128xf32, #tpu.memory_space<vmem>>
    %dma_wait3A_503 = tpu.memref_squeeze %dma_wait3A_502 : memref<1x32x128xf32, #tpu.memory_space<vmem>> -> memref<32x128xf32, #tpu.memory_space<vmem>>
    %dma_wait3A_504 = tpu.memref_slice %arg5[%dma_wait3A_498, %mul3A_36] : memref<20x128xi32, #tpu.memory_space<vmem>> -> memref<1x32xi32, #tpu.memory_space<vmem>>
    %dma_wait3A_505 = tpu.memref_squeeze %dma_wait3A_504 : memref<1x32xi32, #tpu.memory_space<vmem>> -> memref<32xi32, #tpu.memory_space<vmem>>
    %dma_wait3A_506 = arith.constant 0 : i32
    %dma_wait3A_507 = arith.constant 0 : i32
    %dma_wait3A_508 = tpu.memref_slice %arg7[%dma_wait3A_506, %dma_wait3A_507] : memref<1000x128xf32, #tpu.memory_space<vmem_shared>> -> memref<1000x128xf32, #tpu.memory_space<vmem_shared>>
    tpu.wait_indirect_dma semaphore(%arg21 : memref<!tpu.dma_semaphore, #tpu.memory_space<semaphore_mem>>) src(%dma_wait3A_508 : memref<1000x128xf32, #tpu.memory_space<vmem_shared>>) dst(%dma_wait3A_503 : memref<32x128xf32, #tpu.memory_space<vmem>>)
    %dma_start3A_509 = arith.constant 12 : i32
    %dma_start3A_510 = arith.constant 0 : i32
    %dma_start3A_511 = arith.constant 0 : i32
    %dma_start3A_512 = tpu.memref_slice %arg6[%dma_start3A_509, %dma_start3A_510, %dma_start3A_511] : memref<20x32x128xf32, #tpu.memory_space<vmem>> -> memref<2x32x128xf32, #tpu.memory_space<vmem>>
    %dma_start3A_513 = arith.constant 12 : i32
    %dma_start3A_514 = arith.constant 0 : i32
    %dma_start3A_515 = tpu.memref_slice %arg4[%dma_start3A_513, %mul3A_2, %dma_start3A_514] : memref<20x1024x128xf32, #tpu.memory_space<hbm>> -> memref<2x32x128xf32, #tpu.memory_space<hbm>>
    %dma_start3A_516 = arith.constant 12 : i32
    %dma_start3A_517 = arith.constant 0 : i32
    %dma_start3A_518 = tpu.memref_slice %arg4[%dma_start3A_516, %mul3A_2, %dma_start3A_517] : memref<20x1024x128xf32, #tpu.memory_space<hbm>> -> memref<2x32x128xf32, #tpu.memory_space<hbm>>
    %dma_start3A_519 = arith.constant 12 : i32
    %dma_start3A_520 = arith.constant 0 : i32
    %dma_start3A_521 = arith.constant 0 : i32
    %dma_start3A_522 = tpu.memref_slice %arg6[%dma_start3A_519, %dma_start3A_520, %dma_start3A_521] : memref<20x32x128xf32, #tpu.memory_space<vmem>> -> memref<2x32x128xf32, #tpu.memory_space<vmem>>
    tpu.enqueue_dma source(%dma_start3A_522 : memref<2x32x128xf32, #tpu.memory_space<vmem>>) target(%dma_start3A_518 : memref<2x32x128xf32, #tpu.memory_space<hbm>>) target_semaphore(%arg28 : memref<!tpu.dma_semaphore, #tpu.memory_space<semaphore_mem>>)
    %dma_wait3A_523 = arith.constant 14 : i32
    %dma_wait3A_524 = arith.constant 14 : i32
    %dma_wait3A_525 = arith.constant 0 : i32
    %dma_wait3A_526 = arith.constant 0 : i32
    %dma_wait3A_527 = tpu.memref_slice %arg6[%dma_wait3A_524, %dma_wait3A_525, %dma_wait3A_526] : memref<20x32x128xf32, #tpu.memory_space<vmem>> -> memref<1x32x128xf32, #tpu.memory_space<vmem>>
    %dma_wait3A_528 = tpu.memref_squeeze %dma_wait3A_527 : memref<1x32x128xf32, #tpu.memory_space<vmem>> -> memref<32x128xf32, #tpu.memory_space<vmem>>
    %dma_wait3A_529 = tpu.memref_slice %arg5[%dma_wait3A_523, %mul3A_36] : memref<20x128xi32, #tpu.memory_space<vmem>> -> memref<1x32xi32, #tpu.memory_space<vmem>>
    %dma_wait3A_530 = tpu.memref_squeeze %dma_wait3A_529 : memref<1x32xi32, #tpu.memory_space<vmem>> -> memref<32xi32, #tpu.memory_space<vmem>>
    %dma_wait3A_531 = arith.constant 0 : i32
    %dma_wait3A_532 = arith.constant 0 : i32
    %dma_wait3A_533 = tpu.memref_slice %arg7[%dma_wait3A_531, %dma_wait3A_532] : memref<1000x128xf32, #tpu.memory_space<vmem_shared>> -> memref<1000x128xf32, #tpu.memory_space<vmem_shared>>
    tpu.wait_indirect_dma semaphore(%arg22 : memref<!tpu.dma_semaphore, #tpu.memory_space<semaphore_mem>>) src(%dma_wait3A_533 : memref<1000x128xf32, #tpu.memory_space<vmem_shared>>) dst(%dma_wait3A_528 : memref<32x128xf32, #tpu.memory_space<vmem>>)
    %dma_wait3A_534 = arith.constant 15 : i32
    %dma_wait3A_535 = arith.constant 15 : i32
    %dma_wait3A_536 = arith.constant 0 : i32
    %dma_wait3A_537 = arith.constant 0 : i32
    %dma_wait3A_538 = tpu.memref_slice %arg6[%dma_wait3A_535, %dma_wait3A_536, %dma_wait3A_537] : memref<20x32x128xf32, #tpu.memory_space<vmem>> -> memref<1x32x128xf32, #tpu.memory_space<vmem>>
    %dma_wait3A_539 = tpu.memref_squeeze %dma_wait3A_538 : memref<1x32x128xf32, #tpu.memory_space<vmem>> -> memref<32x128xf32, #tpu.memory_space<vmem>>
    %dma_wait3A_540 = tpu.memref_slice %arg5[%dma_wait3A_534, %mul3A_36] : memref<20x128xi32, #tpu.memory_space<vmem>> -> memref<1x32xi32, #tpu.memory_space<vmem>>
    %dma_wait3A_541 = tpu.memref_squeeze %dma_wait3A_540 : memref<1x32xi32, #tpu.memory_space<vmem>> -> memref<32xi32, #tpu.memory_space<vmem>>
    %dma_wait3A_542 = arith.constant 0 : i32
    %dma_wait3A_543 = arith.constant 0 : i32
    %dma_wait3A_544 = tpu.memref_slice %arg7[%dma_wait3A_542, %dma_wait3A_543] : memref<1000x128xf32, #tpu.memory_space<vmem_shared>> -> memref<1000x128xf32, #tpu.memory_space<vmem_shared>>
    tpu.wait_indirect_dma semaphore(%arg23 : memref<!tpu.dma_semaphore, #tpu.memory_space<semaphore_mem>>) src(%dma_wait3A_544 : memref<1000x128xf32, #tpu.memory_space<vmem_shared>>) dst(%dma_wait3A_539 : memref<32x128xf32, #tpu.memory_space<vmem>>)
    %dma_start3A_545 = arith.constant 14 : i32
    %dma_start3A_546 = arith.constant 0 : i32
    %dma_start3A_547 = arith.constant 0 : i32
    %dma_start3A_548 = tpu.memref_slice %arg6[%dma_start3A_545, %dma_start3A_546, %dma_start3A_547] : memref<20x32x128xf32, #tpu.memory_space<vmem>> -> memref<2x32x128xf32, #tpu.memory_space<vmem>>
    %dma_start3A_549 = arith.constant 14 : i32
    %dma_start3A_550 = arith.constant 0 : i32
    %dma_start3A_551 = tpu.memref_slice %arg4[%dma_start3A_549, %mul3A_2, %dma_start3A_550] : memref<20x1024x128xf32, #tpu.memory_space<hbm>> -> memref<2x32x128xf32, #tpu.memory_space<hbm>>
    %dma_start3A_552 = arith.constant 14 : i32
    %dma_start3A_553 = arith.constant 0 : i32
    %dma_start3A_554 = tpu.memref_slice %arg4[%dma_start3A_552, %mul3A_2, %dma_start3A_553] : memref<20x1024x128xf32, #tpu.memory_space<hbm>> -> memref<2x32x128xf32, #tpu.memory_space<hbm>>
    %dma_start3A_555 = arith.constant 14 : i32
    %dma_start3A_556 = arith.constant 0 : i32
    %dma_start3A_557 = arith.constant 0 : i32
    %dma_start3A_558 = tpu.memref_slice %arg6[%dma_start3A_555, %dma_start3A_556, %dma_start3A_557] : memref<20x32x128xf32, #tpu.memory_space<vmem>> -> memref<2x32x128xf32, #tpu.memory_space<vmem>>
    tpu.enqueue_dma source(%dma_start3A_558 : memref<2x32x128xf32, #tpu.memory_space<vmem>>) target(%dma_start3A_554 : memref<2x32x128xf32, #tpu.memory_space<hbm>>) target_semaphore(%arg28 : memref<!tpu.dma_semaphore, #tpu.memory_space<semaphore_mem>>)
    %dma_wait3A_559 = arith.constant 16 : i32
    %dma_wait3A_560 = arith.constant 16 : i32
    %dma_wait3A_561 = arith.constant 0 : i32
    %dma_wait3A_562 = arith.constant 0 : i32
    %dma_wait3A_563 = tpu.memref_slice %arg6[%dma_wait3A_560, %dma_wait3A_561, %dma_wait3A_562] : memref<20x32x128xf32, #tpu.memory_space<vmem>> -> memref<1x32x128xf32, #tpu.memory_space<vmem>>
    %dma_wait3A_564 = tpu.memref_squeeze %dma_wait3A_563 : memref<1x32x128xf32, #tpu.memory_space<vmem>> -> memref<32x128xf32, #tpu.memory_space<vmem>>
    %dma_wait3A_565 = tpu.memref_slice %arg5[%dma_wait3A_559, %mul3A_36] : memref<20x128xi32, #tpu.memory_space<vmem>> -> memref<1x32xi32, #tpu.memory_space<vmem>>
    %dma_wait3A_566 = tpu.memref_squeeze %dma_wait3A_565 : memref<1x32xi32, #tpu.memory_space<vmem>> -> memref<32xi32, #tpu.memory_space<vmem>>
    %dma_wait3A_567 = arith.constant 0 : i32
    %dma_wait3A_568 = arith.constant 0 : i32
    %dma_wait3A_569 = tpu.memref_slice %arg7[%dma_wait3A_567, %dma_wait3A_568] : memref<1000x128xf32, #tpu.memory_space<vmem_shared>> -> memref<1000x128xf32, #tpu.memory_space<vmem_shared>>
    tpu.wait_indirect_dma semaphore(%arg24 : memref<!tpu.dma_semaphore, #tpu.memory_space<semaphore_mem>>) src(%dma_wait3A_569 : memref<1000x128xf32, #tpu.memory_space<vmem_shared>>) dst(%dma_wait3A_564 : memref<32x128xf32, #tpu.memory_space<vmem>>)
    %dma_wait3A_570 = arith.constant 17 : i32
    %dma_wait3A_571 = arith.constant 17 : i32
    %dma_wait3A_572 = arith.constant 0 : i32
    %dma_wait3A_573 = arith.constant 0 : i32
    %dma_wait3A_574 = tpu.memref_slice %arg6[%dma_wait3A_571, %dma_wait3A_572, %dma_wait3A_573] : memref<20x32x128xf32, #tpu.memory_space<vmem>> -> memref<1x32x128xf32, #tpu.memory_space<vmem>>
    %dma_wait3A_575 = tpu.memref_squeeze %dma_wait3A_574 : memref<1x32x128xf32, #tpu.memory_space<vmem>> -> memref<32x128xf32, #tpu.memory_space<vmem>>
    %dma_wait3A_576 = tpu.memref_slice %arg5[%dma_wait3A_570, %mul3A_36] : memref<20x128xi32, #tpu.memory_space<vmem>> -> memref<1x32xi32, #tpu.memory_space<vmem>>
    %dma_wait3A_577 = tpu.memref_squeeze %dma_wait3A_576 : memref<1x32xi32, #tpu.memory_space<vmem>> -> memref<32xi32, #tpu.memory_space<vmem>>
    %dma_wait3A_578 = arith.constant 0 : i32
    %dma_wait3A_579 = arith.constant 0 : i32
    %dma_wait3A_580 = tpu.memref_slice %arg7[%dma_wait3A_578, %dma_wait3A_579] : memref<1000x128xf32, #tpu.memory_space<vmem_shared>> -> memref<1000x128xf32, #tpu.memory_space<vmem_shared>>
    tpu.wait_indirect_dma semaphore(%arg25 : memref<!tpu.dma_semaphore, #tpu.memory_space<semaphore_mem>>) src(%dma_wait3A_580 : memref<1000x128xf32, #tpu.memory_space<vmem_shared>>) dst(%dma_wait3A_575 : memref<32x128xf32, #tpu.memory_space<vmem>>)
    %dma_start3A_581 = arith.constant 16 : i32
    %dma_start3A_582 = arith.constant 0 : i32
    %dma_start3A_583 = arith.constant 0 : i32
    %dma_start3A_584 = tpu.memref_slice %arg6[%dma_start3A_581, %dma_start3A_582, %dma_start3A_583] : memref<20x32x128xf32, #tpu.memory_space<vmem>> -> memref<2x32x128xf32, #tpu.memory_space<vmem>>
    %dma_start3A_585 = arith.constant 16 : i32
    %dma_start3A_586 = arith.constant 0 : i32
    %dma_start3A_587 = tpu.memref_slice %arg4[%dma_start3A_585, %mul3A_2, %dma_start3A_586] : memref<20x1024x128xf32, #tpu.memory_space<hbm>> -> memref<2x32x128xf32, #tpu.memory_space<hbm>>
    %dma_start3A_588 = arith.constant 16 : i32
    %dma_start3A_589 = arith.constant 0 : i32
    %dma_start3A_590 = tpu.memref_slice %arg4[%dma_start3A_588, %mul3A_2, %dma_start3A_589] : memref<20x1024x128xf32, #tpu.memory_space<hbm>> -> memref<2x32x128xf32, #tpu.memory_space<hbm>>
    %dma_start3A_591 = arith.constant 16 : i32
    %dma_start3A_592 = arith.constant 0 : i32
    %dma_start3A_593 = arith.constant 0 : i32
    %dma_start3A_594 = tpu.memref_slice %arg6[%dma_start3A_591, %dma_start3A_592, %dma_start3A_593] : memref<20x32x128xf32, #tpu.memory_space<vmem>> -> memref<2x32x128xf32, #tpu.memory_space<vmem>>
    tpu.enqueue_dma source(%dma_start3A_594 : memref<2x32x128xf32, #tpu.memory_space<vmem>>) target(%dma_start3A_590 : memref<2x32x128xf32, #tpu.memory_space<hbm>>) target_semaphore(%arg28 : memref<!tpu.dma_semaphore, #tpu.memory_space<semaphore_mem>>)
    %dma_wait3A_595 = arith.constant 18 : i32
    %dma_wait3A_596 = arith.constant 18 : i32
    %dma_wait3A_597 = arith.constant 0 : i32
    %dma_wait3A_598 = arith.constant 0 : i32
    %dma_wait3A_599 = tpu.memref_slice %arg6[%dma_wait3A_596, %dma_wait3A_597, %dma_wait3A_598] : memref<20x32x128xf32, #tpu.memory_space<vmem>> -> memref<1x32x128xf32, #tpu.memory_space<vmem>>
    %dma_wait3A_600 = tpu.memref_squeeze %dma_wait3A_599 : memref<1x32x128xf32, #tpu.memory_space<vmem>> -> memref<32x128xf32, #tpu.memory_space<vmem>>
    %dma_wait3A_601 = tpu.memref_slice %arg5[%dma_wait3A_595, %mul3A_36] : memref<20x128xi32, #tpu.memory_space<vmem>> -> memref<1x32xi32, #tpu.memory_space<vmem>>
    %dma_wait3A_602 = tpu.memref_squeeze %dma_wait3A_601 : memref<1x32xi32, #tpu.memory_space<vmem>> -> memref<32xi32, #tpu.memory_space<vmem>>
    %dma_wait3A_603 = arith.constant 0 : i32
    %dma_wait3A_604 = arith.constant 0 : i32
    %dma_wait3A_605 = tpu.memref_slice %arg7[%dma_wait3A_603, %dma_wait3A_604] : memref<1000x128xf32, #tpu.memory_space<vmem_shared>> -> memref<1000x128xf32, #tpu.memory_space<vmem_shared>>
    tpu.wait_indirect_dma semaphore(%arg26 : memref<!tpu.dma_semaphore, #tpu.memory_space<semaphore_mem>>) src(%dma_wait3A_605 : memref<1000x128xf32, #tpu.memory_space<vmem_shared>>) dst(%dma_wait3A_600 : memref<32x128xf32, #tpu.memory_space<vmem>>)
    %dma_wait3A_606 = arith.constant 19 : i32
    %dma_wait3A_607 = arith.constant 19 : i32
    %dma_wait3A_608 = arith.constant 0 : i32
    %dma_wait3A_609 = arith.constant 0 : i32
    %dma_wait3A_610 = tpu.memref_slice %arg6[%dma_wait3A_607, %dma_wait3A_608, %dma_wait3A_609] : memref<20x32x128xf32, #tpu.memory_space<vmem>> -> memref<1x32x128xf32, #tpu.memory_space<vmem>>
    %dma_wait3A_611 = tpu.memref_squeeze %dma_wait3A_610 : memref<1x32x128xf32, #tpu.memory_space<vmem>> -> memref<32x128xf32, #tpu.memory_space<vmem>>
    %dma_wait3A_612 = tpu.memref_slice %arg5[%dma_wait3A_606, %mul3A_36] : memref<20x128xi32, #tpu.memory_space<vmem>> -> memref<1x32xi32, #tpu.memory_space<vmem>>
    %dma_wait3A_613 = tpu.memref_squeeze %dma_wait3A_612 : memref<1x32xi32, #tpu.memory_space<vmem>> -> memref<32xi32, #tpu.memory_space<vmem>>
    %dma_wait3A_614 = arith.constant 0 : i32
    %dma_wait3A_615 = arith.constant 0 : i32
    %dma_wait3A_616 = tpu.memref_slice %arg7[%dma_wait3A_614, %dma_wait3A_615] : memref<1000x128xf32, #tpu.memory_space<vmem_shared>> -> memref<1000x128xf32, #tpu.memory_space<vmem_shared>>
    tpu.wait_indirect_dma semaphore(%arg27 : memref<!tpu.dma_semaphore, #tpu.memory_space<semaphore_mem>>) src(%dma_wait3A_616 : memref<1000x128xf32, #tpu.memory_space<vmem_shared>>) dst(%dma_wait3A_611 : memref<32x128xf32, #tpu.memory_space<vmem>>)
    %dma_start3A_617 = arith.constant 18 : i32
    %dma_start3A_618 = arith.constant 0 : i32
    %dma_start3A_619 = arith.constant 0 : i32
    %dma_start3A_620 = tpu.memref_slice %arg6[%dma_start3A_617, %dma_start3A_618, %dma_start3A_619] : memref<20x32x128xf32, #tpu.memory_space<vmem>> -> memref<2x32x128xf32, #tpu.memory_space<vmem>>
    %dma_start3A_621 = arith.constant 18 : i32
    %dma_start3A_622 = arith.constant 0 : i32
    %dma_start3A_623 = tpu.memref_slice %arg4[%dma_start3A_621, %mul3A_2, %dma_start3A_622] : memref<20x1024x128xf32, #tpu.memory_space<hbm>> -> memref<2x32x128xf32, #tpu.memory_space<hbm>>
    %dma_start3A_624 = arith.constant 18 : i32
    %dma_start3A_625 = arith.constant 0 : i32
    %dma_start3A_626 = tpu.memref_slice %arg4[%dma_start3A_624, %mul3A_2, %dma_start3A_625] : memref<20x1024x128xf32, #tpu.memory_space<hbm>> -> memref<2x32x128xf32, #tpu.memory_space<hbm>>
    %dma_start3A_627 = arith.constant 18 : i32
    %dma_start3A_628 = arith.constant 0 : i32
    %dma_start3A_629 = arith.constant 0 : i32
    %dma_start3A_630 = tpu.memref_slice %arg6[%dma_start3A_627, %dma_start3A_628, %dma_start3A_629] : memref<20x32x128xf32, #tpu.memory_space<vmem>> -> memref<2x32x128xf32, #tpu.memory_space<vmem>>
    tpu.enqueue_dma source(%dma_start3A_630 : memref<2x32x128xf32, #tpu.memory_space<vmem>>) target(%dma_start3A_626 : memref<2x32x128xf32, #tpu.memory_space<hbm>>) target_semaphore(%arg28 : memref<!tpu.dma_semaphore, #tpu.memory_space<semaphore_mem>>)
    %dma_wait3A_631 = arith.constant 0 : i32
    %dma_wait3A_632 = arith.constant 0 : i32
    %dma_wait3A_633 = arith.constant 0 : i32
    %dma_wait3A_634 = tpu.memref_slice %arg6[%dma_wait3A_631, %dma_wait3A_632, %dma_wait3A_633] : memref<20x32x128xf32, #tpu.memory_space<vmem>> -> memref<2x32x128xf32, #tpu.memory_space<vmem>>
    %dma_wait3A_635 = arith.constant 0 : i32
    %dma_wait3A_636 = arith.constant 0 : i32
    %dma_wait3A_637 = tpu.memref_slice %arg4[%dma_wait3A_635, %mul3A_2, %dma_wait3A_636] : memref<20x1024x128xf32, #tpu.memory_space<hbm>> -> memref<2x32x128xf32, #tpu.memory_space<hbm>>
    %dma_wait3A_638 = arith.constant 0 : i32
    %dma_wait3A_639 = arith.constant 0 : i32
    %dma_wait3A_640 = tpu.memref_slice %arg4[%dma_wait3A_638, %mul3A_2, %dma_wait3A_639] : memref<20x1024x128xf32, #tpu.memory_space<hbm>> -> memref<2x32x128xf32, #tpu.memory_space<hbm>>
    %dma_wait3A_641 = arith.constant 0 : i32
    %dma_wait3A_642 = arith.constant 0 : i32
    %dma_wait3A_643 = arith.constant 0 : i32
    %dma_wait3A_644 = tpu.memref_slice %arg6[%dma_wait3A_641, %dma_wait3A_642, %dma_wait3A_643] : memref<20x32x128xf32, #tpu.memory_space<vmem>> -> memref<2x32x128xf32, #tpu.memory_space<vmem>>
    tpu.wait_dma2 semaphore(%arg28 : memref<!tpu.dma_semaphore, #tpu.memory_space<semaphore_mem>>) src(%dma_wait3A_644 : memref<2x32x128xf32, #tpu.memory_space<vmem>>) dst(%dma_wait3A_640 : memref<2x32x128xf32, #tpu.memory_space<hbm>>)
    %dma_wait3A_645 = arith.constant 2 : i32
    %dma_wait3A_646 = arith.constant 0 : i32
    %dma_wait3A_647 = arith.constant 0 : i32
    %dma_wait3A_648 = tpu.memref_slice %arg6[%dma_wait3A_645, %dma_wait3A_646, %dma_wait3A_647] : memref<20x32x128xf32, #tpu.memory_space<vmem>> -> memref<2x32x128xf32, #tpu.memory_space<vmem>>
    %dma_wait3A_649 = arith.constant 2 : i32
    %dma_wait3A_650 = arith.constant 0 : i32
    %dma_wait3A_651 = tpu.memref_slice %arg4[%dma_wait3A_649, %mul3A_2, %dma_wait3A_650] : memref<20x1024x128xf32, #tpu.memory_space<hbm>> -> memref<2x32x128xf32, #tpu.memory_space<hbm>>
    %dma_wait3A_652 = arith.constant 2 : i32
    %dma_wait3A_653 = arith.constant 0 : i32
    %dma_wait3A_654 = tpu.memref_slice %arg4[%dma_wait3A_652, %mul3A_2, %dma_wait3A_653] : memref<20x1024x128xf32, #tpu.memory_space<hbm>> -> memref<2x32x128xf32, #tpu.memory_space<hbm>>
    %dma_wait3A_655 = arith.constant 2 : i32
    %dma_wait3A_656 = arith.constant 0 : i32
    %dma_wait3A_657 = arith.constant 0 : i32
    %dma_wait3A_658 = tpu.memref_slice %arg6[%dma_wait3A_655, %dma_wait3A_656, %dma_wait3A_657] : memref<20x32x128xf32, #tpu.memory_space<vmem>> -> memref<2x32x128xf32, #tpu.memory_space<vmem>>
    tpu.wait_dma2 semaphore(%arg28 : memref<!tpu.dma_semaphore, #tpu.memory_space<semaphore_mem>>) src(%dma_wait3A_658 : memref<2x32x128xf32, #tpu.memory_space<vmem>>) dst(%dma_wait3A_654 : memref<2x32x128xf32, #tpu.memory_space<hbm>>)
    %dma_wait3A_659 = arith.constant 4 : i32
    %dma_wait3A_660 = arith.constant 0 : i32
    %dma_wait3A_661 = arith.constant 0 : i32
    %dma_wait3A_662 = tpu.memref_slice %arg6[%dma_wait3A_659, %dma_wait3A_660, %dma_wait3A_661] : memref<20x32x128xf32, #tpu.memory_space<vmem>> -> memref<2x32x128xf32, #tpu.memory_space<vmem>>
    %dma_wait3A_663 = arith.constant 4 : i32
    %dma_wait3A_664 = arith.constant 0 : i32
    %dma_wait3A_665 = tpu.memref_slice %arg4[%dma_wait3A_663, %mul3A_2, %dma_wait3A_664] : memref<20x1024x128xf32, #tpu.memory_space<hbm>> -> memref<2x32x128xf32, #tpu.memory_space<hbm>>
    %dma_wait3A_666 = arith.constant 4 : i32
    %dma_wait3A_667 = arith.constant 0 : i32
    %dma_wait3A_668 = tpu.memref_slice %arg4[%dma_wait3A_666, %mul3A_2, %dma_wait3A_667] : memref<20x1024x128xf32, #tpu.memory_space<hbm>> -> memref<2x32x128xf32, #tpu.memory_space<hbm>>
    %dma_wait3A_669 = arith.constant 4 : i32
    %dma_wait3A_670 = arith.constant 0 : i32
    %dma_wait3A_671 = arith.constant 0 : i32
    %dma_wait3A_672 = tpu.memref_slice %arg6[%dma_wait3A_669, %dma_wait3A_670, %dma_wait3A_671] : memref<20x32x128xf32, #tpu.memory_space<vmem>> -> memref<2x32x128xf32, #tpu.memory_space<vmem>>
    tpu.wait_dma2 semaphore(%arg28 : memref<!tpu.dma_semaphore, #tpu.memory_space<semaphore_mem>>) src(%dma_wait3A_672 : memref<2x32x128xf32, #tpu.memory_space<vmem>>) dst(%dma_wait3A_668 : memref<2x32x128xf32, #tpu.memory_space<hbm>>)
    %dma_wait3A_673 = arith.constant 6 : i32
    %dma_wait3A_674 = arith.constant 0 : i32
    %dma_wait3A_675 = arith.constant 0 : i32
    %dma_wait3A_676 = tpu.memref_slice %arg6[%dma_wait3A_673, %dma_wait3A_674, %dma_wait3A_675] : memref<20x32x128xf32, #tpu.memory_space<vmem>> -> memref<2x32x128xf32, #tpu.memory_space<vmem>>
    %dma_wait3A_677 = arith.constant 6 : i32
    %dma_wait3A_678 = arith.constant 0 : i32
    %dma_wait3A_679 = tpu.memref_slice %arg4[%dma_wait3A_677, %mul3A_2, %dma_wait3A_678] : memref<20x1024x128xf32, #tpu.memory_space<hbm>> -> memref<2x32x128xf32, #tpu.memory_space<hbm>>
    %dma_wait3A_680 = arith.constant 6 : i32
    %dma_wait3A_681 = arith.constant 0 : i32
    %dma_wait3A_682 = tpu.memref_slice %arg4[%dma_wait3A_680, %mul3A_2, %dma_wait3A_681] : memref<20x1024x128xf32, #tpu.memory_space<hbm>> -> memref<2x32x128xf32, #tpu.memory_space<hbm>>
    %dma_wait3A_683 = arith.constant 6 : i32
    %dma_wait3A_684 = arith.constant 0 : i32
    %dma_wait3A_685 = arith.constant 0 : i32
    %dma_wait3A_686 = tpu.memref_slice %arg6[%dma_wait3A_683, %dma_wait3A_684, %dma_wait3A_685] : memref<20x32x128xf32, #tpu.memory_space<vmem>> -> memref<2x32x128xf32, #tpu.memory_space<vmem>>
    tpu.wait_dma2 semaphore(%arg28 : memref<!tpu.dma_semaphore, #tpu.memory_space<semaphore_mem>>) src(%dma_wait3A_686 : memref<2x32x128xf32, #tpu.memory_space<vmem>>) dst(%dma_wait3A_682 : memref<2x32x128xf32, #tpu.memory_space<hbm>>)
    %dma_wait3A_687 = arith.constant 8 : i32
    %dma_wait3A_688 = arith.constant 0 : i32
    %dma_wait3A_689 = arith.constant 0 : i32
    %dma_wait3A_690 = tpu.memref_slice %arg6[%dma_wait3A_687, %dma_wait3A_688, %dma_wait3A_689] : memref<20x32x128xf32, #tpu.memory_space<vmem>> -> memref<2x32x128xf32, #tpu.memory_space<vmem>>
    %dma_wait3A_691 = arith.constant 8 : i32
    %dma_wait3A_692 = arith.constant 0 : i32
    %dma_wait3A_693 = tpu.memref_slice %arg4[%dma_wait3A_691, %mul3A_2, %dma_wait3A_692] : memref<20x1024x128xf32, #tpu.memory_space<hbm>> -> memref<2x32x128xf32, #tpu.memory_space<hbm>>
    %dma_wait3A_694 = arith.constant 8 : i32
    %dma_wait3A_695 = arith.constant 0 : i32
    %dma_wait3A_696 = tpu.memref_slice %arg4[%dma_wait3A_694, %mul3A_2, %dma_wait3A_695] : memref<20x1024x128xf32, #tpu.memory_space<hbm>> -> memref<2x32x128xf32, #tpu.memory_space<hbm>>
    %dma_wait3A_697 = arith.constant 8 : i32
    %dma_wait3A_698 = arith.constant 0 : i32
    %dma_wait3A_699 = arith.constant 0 : i32
    %dma_wait3A_700 = tpu.memref_slice %arg6[%dma_wait3A_697, %dma_wait3A_698, %dma_wait3A_699] : memref<20x32x128xf32, #tpu.memory_space<vmem>> -> memref<2x32x128xf32, #tpu.memory_space<vmem>>
    tpu.wait_dma2 semaphore(%arg28 : memref<!tpu.dma_semaphore, #tpu.memory_space<semaphore_mem>>) src(%dma_wait3A_700 : memref<2x32x128xf32, #tpu.memory_space<vmem>>) dst(%dma_wait3A_696 : memref<2x32x128xf32, #tpu.memory_space<hbm>>)
    %dma_wait3A_701 = arith.constant 10 : i32
    %dma_wait3A_702 = arith.constant 0 : i32
    %dma_wait3A_703 = arith.constant 0 : i32
    %dma_wait3A_704 = tpu.memref_slice %arg6[%dma_wait3A_701, %dma_wait3A_702, %dma_wait3A_703] : memref<20x32x128xf32, #tpu.memory_space<vmem>> -> memref<2x32x128xf32, #tpu.memory_space<vmem>>
    %dma_wait3A_705 = arith.constant 10 : i32
    %dma_wait3A_706 = arith.constant 0 : i32
    %dma_wait3A_707 = tpu.memref_slice %arg4[%dma_wait3A_705, %mul3A_2, %dma_wait3A_706] : memref<20x1024x128xf32, #tpu.memory_space<hbm>> -> memref<2x32x128xf32, #tpu.memory_space<hbm>>
    %dma_wait3A_708 = arith.constant 10 : i32
    %dma_wait3A_709 = arith.constant 0 : i32
    %dma_wait3A_710 = tpu.memref_slice %arg4[%dma_wait3A_708, %mul3A_2, %dma_wait3A_709] : memref<20x1024x128xf32, #tpu.memory_space<hbm>> -> memref<2x32x128xf32, #tpu.memory_space<hbm>>
    %dma_wait3A_711 = arith.constant 10 : i32
    %dma_wait3A_712 = arith.constant 0 : i32
    %dma_wait3A_713 = arith.constant 0 : i32
    %dma_wait3A_714 = tpu.memref_slice %arg6[%dma_wait3A_711, %dma_wait3A_712, %dma_wait3A_713] : memref<20x32x128xf32, #tpu.memory_space<vmem>> -> memref<2x32x128xf32, #tpu.memory_space<vmem>>
    tpu.wait_dma2 semaphore(%arg28 : memref<!tpu.dma_semaphore, #tpu.memory_space<semaphore_mem>>) src(%dma_wait3A_714 : memref<2x32x128xf32, #tpu.memory_space<vmem>>) dst(%dma_wait3A_710 : memref<2x32x128xf32, #tpu.memory_space<hbm>>)
    %dma_wait3A_715 = arith.constant 12 : i32
    %dma_wait3A_716 = arith.constant 0 : i32
    %dma_wait3A_717 = arith.constant 0 : i32
    %dma_wait3A_718 = tpu.memref_slice %arg6[%dma_wait3A_715, %dma_wait3A_716, %dma_wait3A_717] : memref<20x32x128xf32, #tpu.memory_space<vmem>> -> memref<2x32x128xf32, #tpu.memory_space<vmem>>
    %dma_wait3A_719 = arith.constant 12 : i32
    %dma_wait3A_720 = arith.constant 0 : i32
    %dma_wait3A_721 = tpu.memref_slice %arg4[%dma_wait3A_719, %mul3A_2, %dma_wait3A_720] : memref<20x1024x128xf32, #tpu.memory_space<hbm>> -> memref<2x32x128xf32, #tpu.memory_space<hbm>>
    %dma_wait3A_722 = arith.constant 12 : i32
    %dma_wait3A_723 = arith.constant 0 : i32
    %dma_wait3A_724 = tpu.memref_slice %arg4[%dma_wait3A_722, %mul3A_2, %dma_wait3A_723] : memref<20x1024x128xf32, #tpu.memory_space<hbm>> -> memref<2x32x128xf32, #tpu.memory_space<hbm>>
    %dma_wait3A_725 = arith.constant 12 : i32
    %dma_wait3A_726 = arith.constant 0 : i32
    %dma_wait3A_727 = arith.constant 0 : i32
    %dma_wait3A_728 = tpu.memref_slice %arg6[%dma_wait3A_725, %dma_wait3A_726, %dma_wait3A_727] : memref<20x32x128xf32, #tpu.memory_space<vmem>> -> memref<2x32x128xf32, #tpu.memory_space<vmem>>
    tpu.wait_dma2 semaphore(%arg28 : memref<!tpu.dma_semaphore, #tpu.memory_space<semaphore_mem>>) src(%dma_wait3A_728 : memref<2x32x128xf32, #tpu.memory_space<vmem>>) dst(%dma_wait3A_724 : memref<2x32x128xf32, #tpu.memory_space<hbm>>)
    %dma_wait3A_729 = arith.constant 14 : i32
    %dma_wait3A_730 = arith.constant 0 : i32
    %dma_wait3A_731 = arith.constant 0 : i32
    %dma_wait3A_732 = tpu.memref_slice %arg6[%dma_wait3A_729, %dma_wait3A_730, %dma_wait3A_731] : memref<20x32x128xf32, #tpu.memory_space<vmem>> -> memref<2x32x128xf32, #tpu.memory_space<vmem>>
    %dma_wait3A_733 = arith.constant 14 : i32
    %dma_wait3A_734 = arith.constant 0 : i32
    %dma_wait3A_735 = tpu.memref_slice %arg4[%dma_wait3A_733, %mul3A_2, %dma_wait3A_734] : memref<20x1024x128xf32, #tpu.memory_space<hbm>> -> memref<2x32x128xf32, #tpu.memory_space<hbm>>
    %dma_wait3A_736 = arith.constant 14 : i32
    %dma_wait3A_737 = arith.constant 0 : i32
    %dma_wait3A_738 = tpu.memref_slice %arg4[%dma_wait3A_736, %mul3A_2, %dma_wait3A_737] : memref<20x1024x128xf32, #tpu.memory_space<hbm>> -> memref<2x32x128xf32, #tpu.memory_space<hbm>>
    %dma_wait3A_739 = arith.constant 14 : i32
    %dma_wait3A_740 = arith.constant 0 : i32
    %dma_wait3A_741 = arith.constant 0 : i32
    %dma_wait3A_742 = tpu.memref_slice %arg6[%dma_wait3A_739, %dma_wait3A_740, %dma_wait3A_741] : memref<20x32x128xf32, #tpu.memory_space<vmem>> -> memref<2x32x128xf32, #tpu.memory_space<vmem>>
    tpu.wait_dma2 semaphore(%arg28 : memref<!tpu.dma_semaphore, #tpu.memory_space<semaphore_mem>>) src(%dma_wait3A_742 : memref<2x32x128xf32, #tpu.memory_space<vmem>>) dst(%dma_wait3A_738 : memref<2x32x128xf32, #tpu.memory_space<hbm>>)
    %dma_wait3A_743 = arith.constant 16 : i32
    %dma_wait3A_744 = arith.constant 0 : i32
    %dma_wait3A_745 = arith.constant 0 : i32
    %dma_wait3A_746 = tpu.memref_slice %arg6[%dma_wait3A_743, %dma_wait3A_744, %dma_wait3A_745] : memref<20x32x128xf32, #tpu.memory_space<vmem>> -> memref<2x32x128xf32, #tpu.memory_space<vmem>>
    %dma_wait3A_747 = arith.constant 16 : i32
    %dma_wait3A_748 = arith.constant 0 : i32
    %dma_wait3A_749 = tpu.memref_slice %arg4[%dma_wait3A_747, %mul3A_2, %dma_wait3A_748] : memref<20x1024x128xf32, #tpu.memory_space<hbm>> -> memref<2x32x128xf32, #tpu.memory_space<hbm>>
    %dma_wait3A_750 = arith.constant 16 : i32
    %dma_wait3A_751 = arith.constant 0 : i32
    %dma_wait3A_752 = tpu.memref_slice %arg4[%dma_wait3A_750, %mul3A_2, %dma_wait3A_751] : memref<20x1024x128xf32, #tpu.memory_space<hbm>> -> memref<2x32x128xf32, #tpu.memory_space<hbm>>
    %dma_wait3A_753 = arith.constant 16 : i32
    %dma_wait3A_754 = arith.constant 0 : i32
    %dma_wait3A_755 = arith.constant 0 : i32
    %dma_wait3A_756 = tpu.memref_slice %arg6[%dma_wait3A_753, %dma_wait3A_754, %dma_wait3A_755] : memref<20x32x128xf32, #tpu.memory_space<vmem>> -> memref<2x32x128xf32, #tpu.memory_space<vmem>>
    tpu.wait_dma2 semaphore(%arg28 : memref<!tpu.dma_semaphore, #tpu.memory_space<semaphore_mem>>) src(%dma_wait3A_756 : memref<2x32x128xf32, #tpu.memory_space<vmem>>) dst(%dma_wait3A_752 : memref<2x32x128xf32, #tpu.memory_space<hbm>>)
    %dma_wait3A_757 = arith.constant 18 : i32
    %dma_wait3A_758 = arith.constant 0 : i32
    %dma_wait3A_759 = arith.constant 0 : i32
    %dma_wait3A_760 = tpu.memref_slice %arg6[%dma_wait3A_757, %dma_wait3A_758, %dma_wait3A_759] : memref<20x32x128xf32, #tpu.memory_space<vmem>> -> memref<2x32x128xf32, #tpu.memory_space<vmem>>
    %dma_wait3A_761 = arith.constant 18 : i32
    %dma_wait3A_762 = arith.constant 0 : i32
    %dma_wait3A_763 = tpu.memref_slice %arg4[%dma_wait3A_761, %mul3A_2, %dma_wait3A_762] : memref<20x1024x128xf32, #tpu.memory_space<hbm>> -> memref<2x32x128xf32, #tpu.memory_space<hbm>>
    %dma_wait3A_764 = arith.constant 18 : i32
    %dma_wait3A_765 = arith.constant 0 : i32
    %dma_wait3A_766 = tpu.memref_slice %arg4[%dma_wait3A_764, %mul3A_2, %dma_wait3A_765] : memref<20x1024x128xf32, #tpu.memory_space<hbm>> -> memref<2x32x128xf32, #tpu.memory_space<hbm>>
    %dma_wait3A_767 = arith.constant 18 : i32
    %dma_wait3A_768 = arith.constant 0 : i32
    %dma_wait3A_769 = arith.constant 0 : i32
    %dma_wait3A_770 = tpu.memref_slice %arg6[%dma_wait3A_767, %dma_wait3A_768, %dma_wait3A_769] : memref<20x32x128xf32, #tpu.memory_space<vmem>> -> memref<2x32x128xf32, #tpu.memory_space<vmem>>
    tpu.wait_dma2 semaphore(%arg28 : memref<!tpu.dma_semaphore, #tpu.memory_space<semaphore_mem>>) src(%dma_wait3A_770 : memref<2x32x128xf32, #tpu.memory_space<vmem>>) dst(%dma_wait3A_766 : memref<2x32x128xf32, #tpu.memory_space<hbm>>)
    return
  }
}

</mosaic_0001>

<sc_bundles>
// kernel: kernel.3.cloned.1.call-start
scs
__scs_entry_jumppad:
0x0: {  	(pc) =	sbr.rel $0x88, $3  }
0x1: {  	(tag) =	ssettag $0x0;
	lr =	simm.s32 $0x1  }
0x2: {  	[smem:$0x3F9F] =	sst lr;
	_ =	strace $0xD0000000  }
0x3: {  	_ = 	snop  }
0x4: {  	_ = 	snop  }
0x5: {  	_ = 	snop  }
0x6: {  	_ = 	snop  }
0x7: {  	_ = 	snop  }
__scs_overlays_trampoline_lowered:
0x8: {  	[smem:$0x3FAE] =	sst s0  }
0x9: {  	[smem:$0x3FAF] =	sst s1  }
0xa: {  	[smem:$0x3FB0] =	sst s2  }
0xb: {  	[smem:$0x3FB1] =	sst s3  }
0xc: {  	[smem:$0x3FB2] =	sst s4  }
0xd: {  	[smem:$0x3FB3] =	sst s5  }
0xe: {  	[smem:$0x3FB4] =	sst s6  }
0xf: {  	[smem:$0x3FB5] =	sst s7  }
0x10: {  	[smem:$0x3FB6] =	sst s8  }
0x11: {  	[smem:$0x3FB7] =	sst s9;
	s0 =	simm.s32 @!p0 $0x0  }
0x12: {  	s1 =	sld [smem:$0x3F9D];
	s0 =	simm.s32 @p0 $0x1  }
0x13: {  	[smem:$0x3FB8] =	sst s0;
	s0 =	simm.s32 @!p1 $0x0  }
0x14: {  	s2 =	sld [smem:$0x3F9C];
	s0 =	simm.s32 @p1 $0x1  }
0x15: {  	[smem:$0x3FB9] =	sst s0;
	s0 =	simm.s32 @!p2 $0x0  }
0x16: {  	s3 =	sld [smem:$0x3FDB];
	s0 =	simm.s32 @p2 $0x1  }
0x17: {  	s4 =	simm.s32 $0x1BF5;
	[smem:$0x3FBB] =	sst s0  }
0x18: {  	s0 =	sld [smem:$0x3F9E];
	_ =	swait.ge [sflag:s4], $0x0  }
0x19: {  	s7 =	sld [smem:$0x3F9F]  }
0x1a: {  	s8 =	sadd.s32 $0xFFFFE003, lr  }
0x1b: {  	s9 =	sadd.s32 $0xFFFFFEF7, lr;
	s5 =	simm.s32 $0xFFFFFFFF;
	p2 =	slt.u32 s8, $0xFFFFF086  }
0x1c: {  	p1 =	slt.u32 s9, $0xF7A;
	s5 =	simm.s32 @!p2 $0x0  }
0x1d: {  	s5 =	simm.s32 @p1 $0x1;
	p0 =	seq.s32 s7, s2  }
0x1e: {  	s7 =	smul.u32 @!p0 $0xF7A, s2;
	p2 =	seq.s32 @!p0 s5, $0x0  }
0x1f: {  	s9 =	smul.u32 $0xF7A, s1;
	s8 =	simm.s32 @!p0 $0x1BF5;
	p2 =	por !p2, p0  }
0x20: {  	[sflag:s8] =	ssyncset.s32 @!p0 $0xFFFFF086;
	s6 =	sadd.s32 @!p0 s3, s7;
	s7 =	simm.s32 @!p0 $0x108  }
0x21: {  	s3 =	sadd.s32 s3, s9;
	s6 =	sadd.s32 @!p0 $0x88, s6;
	s7 =	simm.s32 @p2 $0x1082  }
0x22: {  	[simem:s7], [sflag:s8] =	dma.local @!p0 [hbm:s6], $0xF7A  }
0x23: {  	s9 =	sor.u32 $0xD0000000, s2;
	s6 =	simm.s32 $0x108;
	_ =	swait.ge @!p0 [sflag:s8], $0x0  }
0x24: {  	s3 =	sadd.s32 $0x88, s3;
	s6 =	simm.s32 @!p1 $0x1082;
	[sflag:s4] =	ssyncset.s32 $0xFFFFF086  }
0x25: {  	[simem:s6], [sflag:s4] =	dma.local [hbm:s3], $0xF7A  }
0x26: {  	[smem:$0x3F9F] =	sst s1;
	(tag) =	ssettag s2;
	_ =	strace s9  }
0x27: {  	s1 =	sld [smem:$0x3FAF]  }
0x28: {  	s2 =	sld [smem:$0x3FB0]  }
0x29: {  	s4 =	sld [smem:$0x3FB2]  }
0x2a: {  	p0 =	seq.s32 s5, $0x0;
	s5 =	sld [smem:$0x3FB3]  }
0x2b: {  	s6 =	sld [smem:$0x3FB4]  }
0x2c: {  	s7 =	sld [smem:$0x3FB5]  }
0x2d: {  	s3 =	simm.s32 $0x108;
	s8 =	sld [smem:$0x3FB6]  }
0x2e: {  	s3 =	simm.s32 @!p0 $0x1082;
	s9 =	sld [smem:$0x3FB7]  }
0x2f: {  	lr =	sadd.s32 s0, s3;
	s0 =	sld [smem:$0x3FAE]  }
0x30: {  	s3 =	sld [smem:$0x3FB1]  }
0x31: {  	[smem:$0x3FBA] =	sst s10  }
0x32: {  	s10 =	sld [smem:$0x3FB8];
	_ =	sdelay $0x3  }
0x33: {  	p0 =	seq.s32 s10, $0x1;
	s10 =	sld [smem:$0x3FBA];
	_ =	sdelay $0x3  }
0x34: {  	[smem:$0x3FBA] =	sst s10  }
0x35: {  	s10 =	sld [smem:$0x3FB9];
	_ =	sdelay $0x3  }
0x36: {  	p1 =	seq.s32 s10, $0x1;
	s10 =	sld [smem:$0x3FBA];
	_ =	sdelay $0x3  }
0x37: {  	[smem:$0x3FBA] =	sst s10  }
0x38: {  	s10 =	sld [smem:$0x3FBB]  }
0x39: {  	_ = 	snop;
	(pc) =	sbr.ind lr, $3  }
0x3a: {  	_ = 	snop  }
0x3b: {  	_ = 	snop  }
0x3c: {  	p2 =	seq.s32 s10, $0x1;
	s10 =	sld [smem:$0x3FBA]  }
0x3d: {  	_ =	shalt  }
0x3e: {  	_ =	shalt  }
0x3f: {  	_ =	shalt  }
0x40: {  	_ =	shalt  }
0x41: {  	_ =	shalt  }
0x42: {  	_ =	shalt  }
0x43: {  	_ =	shalt  }
0x44: {  	_ =	shalt  }
0x45: {  	_ =	shalt  }
0x46: {  	_ =	shalt  }
0x47: {  	_ =	shalt  }
0x48: {  	_ =	shalt  }
0x49: {  	_ =	shalt  }
0x4a: {  	_ =	shalt  }
0x4b: {  	_ =	shalt  }
0x4c: {  	_ =	shalt  }
0x4d: {  	_ =	shalt  }
0x4e: {  	_ =	shalt  }
0x4f: {  	_ =	shalt  }
0x50: {  	_ =	shalt  }
0x51: {  	_ =	shalt  }
0x52: {  	_ =	shalt  }
0x53: {  	_ =	shalt  }
0x54: {  	_ =	shalt  }
0x55: {  	_ =	shalt  }
0x56: {  	_ =	shalt  }
0x57: {  	_ =	shalt  }
0x58: {  	_ =	shalt  }
0x59: {  	_ =	shalt  }
0x5a: {  	_ =	shalt  }
0x5b: {  	_ =	shalt  }
0x5c: {  	_ =	shalt  }
0x5d: {  	_ =	shalt  }
0x5e: {  	_ =	shalt  }
0x5f: {  	_ =	shalt  }
0x60: {  	_ =	shalt  }
0x61: {  	_ =	shalt  }
0x62: {  	_ =	shalt  }
0x63: {  	_ =	shalt  }
0x64: {  	_ =	shalt  }
0x65: {  	_ =	shalt  }
0x66: {  	_ =	shalt  }
0x67: {  	_ =	shalt  }
0x68: {  	_ =	shalt  }
0x69: {  	_ =	shalt  }
0x6a: {  	_ =	shalt  }
0x6b: {  	_ =	shalt  }
0x6c: {  	_ =	shalt  }
0x6d: {  	_ =	shalt  }
0x6e: {  	_ =	shalt  }
0x6f: {  	_ =	shalt  }
0x70: {  	_ =	shalt  }
0x71: {  	_ =	shalt  }
0x72: {  	_ =	shalt  }
0x73: {  	_ =	shalt  }
0x74: {  	_ =	shalt  }
0x75: {  	_ =	shalt  }
0x76: {  	_ =	shalt  }
0x77: {  	_ =	shalt  }
0x78: {  	_ =	shalt  }
0x79: {  	_ =	shalt  }
0x7a: {  	_ =	shalt  }
0x7b: {  	_ =	shalt  }
0x7c: {  	_ =	shalt  }
0x7d: {  	_ =	shalt  }
0x7e: {  	_ =	shalt  }
0x7f: {  	_ =	shalt  }
0x80: {  	_ =	shalt  }
0x81: {  	_ =	shalt  }
0x82: {  	_ =	shalt  }
0x83: {  	_ =	shalt  }
0x84: {  	_ =	shalt  }
0x85: {  	_ =	shalt  }
0x86: {  	_ =	shalt  }
0x87: {  	_ =	shalt  }
.Lfunc_end0:
.L_simem_size_0:
called_computation_lowered:
.L_overlay_start_0:
0x88: {  	s2 =	sld [smem:$0x3FD9]  }
0x89: {  	s3 =	sld [smem:$0x3FFE];
	_ =	sdelay $0x1  }
0x8a: {  	s1 =	srdreg.scid  }
0x8b: {  	s0 =	sand.u32 $0x1, s1  }
0x8c: {  	s18 =	sshll.u32 s0, $0xA;
	s2 =	sadd.s32 s3, s2  }
0x8d: {  	s2 =	sadd.s32 s2, s18  }
0x8e: {  	[smem:$0x3FC6] =	sst s2  }
0x8f: {  	_ = 	snop  }
0x90: {  	s2 =	sld [smem:$0x3FC9]  }
0x91: {  	s19 =	sld [smem:$0x3FC8]  }
0x92: {  	s4 =	sld [smem:$0x3FD0];
	(tm) =	ssettm $0x1  }
0x93: {  	s5 =	sld [smem:$0x3FFB];
	_ =	sdelay $0x3  }
0x94: {  	_ =	strace s5  }
0x95: {  	s5 =	sld [smem:$0x3FFC];
	_ =	sdelay $0x3  }
0x96: {  	_ =	strace s5  }
0x97: {  	s5 =	sld [smem:$0x3FFD];
	_ =	sdelay $0x3  }
0x98: {  	_ =	strace s5  }
0x99: {  	_ =	strace $0x8FFFFFFF  }
0x9a: {  	s20 =	sld [smem:$0x3FDB];
	_ =	sdelay $0x1  }
0x9b: {  	s6 =	simm.s32 $_scs_section_size  }
0x9c: {  	s7 =	simm.s32 $_size__tile_overlayer_lowered;
	s8 =	simm.s32 $_tile_overlayer_lowered  }
0x9d: {  	s23 =	simm.s32 $0x1BFF;
	s22 =	sshll.u32 s8, $0x1;
	s5 =	sadd.s32 s6, s20  }
0x9e: {  	s9 =	simm.s32 $0x0;
	s21 =	sshll.u32 s7, $0x1;
	s7 =	sadd.s32 s22, s5  }
0x9f: {  	[timem:s9], [sflag:s23] =	dma.local [hbm:s7], s21  }
0xa0: {  	_ =	swait.ge [sflag:s23], s21  }
0xa1: {  	s6 =	ssub.s32 $0x0, s21;
	[sflag:s23] =	ssyncset.done $0x0  }
0xa2: {  	[sflag:s23] =	ssyncadd.s32 s6;
	_ =	sdelay $0x1  }
0xa3: {  	s24 =	simm.s32 $0x1B8B  }
0xa4: {  	_ =	swait.ge [sflag:s24], $0x1  }
0xa5: {  	[sflag:s24] =	ssyncset.done $0x0  }
0xa6: {  	s25 =	simm.s32 $0x1B8E;
	[sflag:s24] =	ssyncadd.s32 $0xFFFFFFFF  }
0xa7: {  	s26 =	simm.s32 $execute0_lowered;
	[smem:$0x3FD2] =	sst s25  }
0xa8: {  	s6 =	sshll.u32 s26, $0x1;
	_ =	strace $0x80000046;
	[dreg:$0x1] =	wrdreg $0xFFFFFFFF  }
0xa9: {  	s28 =	simm.s32 $_size_execute0_lowered;
	s5 =	sadd.s32 s5, s6;
	[dreg:$0x0] =	wrdreg $0x0  }
0xaa: {  	s6 =	sshll.u32 s28, $0x1;
	[dreg:$0x2] =	wrdreg s5  }
0xab: {  	[dreg:$0x3] =	wrdreg s6  }
0xac: {  	[dreg:$0x4] =	wrdreg $0xC0  }
0xad: {  	_ =	task [dreg:s9], $0x5FFFF  }
0xae: {  	[dreg:$0x1] =	wrdreg $0xFFFFFFFF  }
0xaf: {  	[dreg:$0x0] =	wrdreg $0x60  }
0xb0: {  	[dreg:$0x2] =	wrdreg s2  }
0xb1: {  	[dreg:$0x3] =	wrdreg s19  }
0xb2: {  	[dreg:$0x4] =	wrdreg s4  }
0xb3: {  	[dreg:$0x5] =	wrdreg $0x14C000  }
0xb4: {  	[dreg:$0x6] =	wrdreg $0x9  }
0xb5: {  	_ =	task.clear_ibuf [dreg:s9], $0x7FFFF;
	_ =	strace $0x90000046  }
0xb6: {  	s29 =	simm.s32 $0x9;
	_ =	strace $0x80000048  }
0xb7: {  	_ =	swait.ge [sflag:s29], $0x1  }
0xb8: {  	[sflag:s29] =	ssyncadd.s32 $0xFFFFFFFF  }
0xb9: {  	_ =	strace $0x90000048  }
0xba: {  	_ =	sfence  }
0xbb: {  	s30 =	sld [smem:$0x0];
	_ =	sdelay $0x2  }
0xbc: {  	s31 =	sshll.u32 s1, $0xD;
	s1 =	sshrl.u32 s1, $0x2  }
0xbd: {  	s3 =	sand.u32 $0x4000, s31;
	s1 =	sadd.s32 s1, s30  }
0xbe: {  	s0 =	sor.u32 s3, s0;
	s1 =	sshll.u32 s1, $0x11  }
0xbf: {  	s0 =	sor.u32 s1, s0  }
0xc0: {  	s0 =	sadd.s32 $0x8F2B, s0  }
0xc1: {  	[sflag:s0] =	ssyncadd.remote.s32 $0x1  }
0xc2: {  	_ =	sfence.sel $0xFFFF  }
0xc3: {  	[dreg:$0x0] =	wrdreg $0xFFFFFFFF;
	(pc) =	sbr.abs _section_cstart, $3  }
0xc4: {  	[dreg:$0x1] =	wrdreg $0xFFFFFFFF  }
0xc5: {  	_ =	task.clear_ibuf [dreg:s9], $0x2FFFF;
	_ =	strace $0x9FFFFFFF  }
0xc6: {  	(tm) =	ssettm $0x7FFFFFFF  }
0xc7: {  	_ =	shalt  }
tec
execute0_lowered:
.L_overlay_start_1:
0x0: {  	(tag) =	ssettag $0x1  }
0x1: {  	s0 =	rddreg [dreg:$0x0]  }
0x2: {  	s1 =	rddreg [dreg:$0x1]  }
0x3: {  	s3 =	rddreg [dreg:$0x2]  }
0x4: {  	s2 =	rddreg [dreg:$0x3]  }
0x5: {  	s9 =	simm.s32 $0x0;
	s8 =	stileid.u32;
	s5 =	srdreg.scid  }
0x6: {  	[smem:$0x7FF] =	sst s9;
	s4 =	sshll.u32 s8, $0x6;
	s20 =	sand.u32 $0x1, s5  }
0x7: {  	s30 =	sshll.u32 s8, $0x1;
	s31 =	sshll.u32 s8, $0xA;
	_ =	strace $0x80000047  }
0x8: {  	s4 =	sand.u32 $0x380, s4;
	s5 =	sadd.s32 s1, s31;
	s1 =	sadd.s32 $0x3C00, s1  }
0x9: {  	s10 =	sadd.s32 s0, s4;
	s0 =	sor.u32 s20, s30;
	[dreg:$0x6] =	wrdreg s5  }
0xa: {  	[dreg:$0x7] =	wrdreg s1;
	s6 =	sshll.u32 s0, $0x5  }
0xb: {  	s4 =	sadd.s32 $0x800, s10;
	[smem:$0x7EB] =	sst s10;
	s11 =	sand.u32 $0x60, s6  }
0xc: {  	[dreg:$0x5] =	wrdreg s4;
	s7 =	sor.u32 $0x80, s11  }
0xd: {  	s12 =	sor.u32 $0x100, s11;
	[dreg:$0x8] =	wrdreg s7  }
0xe: {  	s13 =	sor.u32 $0x180, s11;
	[dreg:$0x9] =	wrdreg s12  }
0xf: {  	s14 =	sor.u32 $0x200, s11;
	[dreg:$0xa] =	wrdreg s13  }
0x10: {  	s15 =	sor.u32 $0x280, s11;
	[dreg:$0xb] =	wrdreg s14  }
0x11: {  	s16 =	sor.u32 $0x300, s11;
	[dreg:$0xc] =	wrdreg s15  }
0x12: {  	s17 =	sor.u32 $0x380, s11;
	[dreg:$0xd] =	wrdreg s16  }
0x13: {  	s18 =	sor.u32 $0x400, s11;
	[dreg:$0xe] =	wrdreg s17  }
0x14: {  	s19 =	sor.u32 $0x480, s11;
	[dreg:$0xf] =	wrdreg s18  }
0x15: {  	s21 =	sor.u32 $0x500, s11;
	[dreg:$0x10] =	wrdreg s19  }
0x16: {  	s22 =	sor.u32 $0x580, s11;
	[dreg:$0x11] =	wrdreg s21  }
0x17: {  	s23 =	sor.u32 $0x600, s11;
	[dreg:$0x12] =	wrdreg s22  }
0x18: {  	s24 =	sor.u32 $0x680, s11;
	[dreg:$0x13] =	wrdreg s23  }
0x19: {  	s25 =	sor.u32 $0x700, s11;
	[dreg:$0x14] =	wrdreg s24  }
0x1a: {  	s26 =	sor.u32 $0x780, s11;
	[dreg:$0x15] =	wrdreg s25  }
0x1b: {  	s28 =	sor.u32 $0x800, s11;
	[dreg:$0x16] =	wrdreg s26  }
0x1c: {  	s29 =	sor.u32 $0x880, s11;
	[dreg:$0x17] =	wrdreg s28  }
0x1d: {  	s30 =	sor.u32 $0x900, s11;
	[dreg:$0x18] =	wrdreg s29  }
0x1e: {  	s31 =	sor.u32 $0x980, s11;
	[dreg:$0x19] =	wrdreg s30  }
0x1f: {  	[dreg:$0x1a] =	wrdreg s31;
	s17 =	simm.s32 $0x400  }
0x20: {  	s18 =	simm.s32 $0x2000;
	[smem:$0x7E9] =	sst s17  }
0x21: {  	s19 =	simm.s32 $0x800;
	[smem:$0x7E8] =	sst s18  }
0x22: {  	s21 =	simm.s32 $0x1C00;
	[smem:$0x7E7] =	sst s19  }
0x23: {  	s22 =	simm.s32 $0x3C00;
	[smem:$0x7F3] =	sst s21  }
0x24: {  	s23 =	simm.s32 $0x5C00;
	[smem:$0x7EF] =	sst s22  }
0x25: {  	s24 =	simm.s32 $0x7C00;
	[smem:$0x7F7] =	sst s23  }
0x26: {  	s25 =	simm.s32 $0x9C00;
	[smem:$0x7F4] =	sst s24  }
0x27: {  	s26 =	simm.s32 $0xBC00;
	[smem:$0x7F6] =	sst s25  }
0x28: {  	s28 =	simm.s32 $0xDC00;
	[smem:$0x7F1] =	sst s26  }
0x29: {  	s0 =	sshll.u32 s0, $0x9;
	s29 =	simm.s32 $0xFC00;
	[smem:$0x7F0] =	sst s28  }
0x2a: {  	s14 =	sadd.s32 s3, s0;
	s30 =	simm.s32 $0x11C00;
	[smem:$0x7EE] =	sst s29  }
0x2b: {  	s0 =	sadd.s32 $0x8000, s14;
	[smem:$0x7F5] =	sst s30  }
0x2c: {  	s3 =	sadd.s32 $0x10000, s14;
	[dreg:$0x1b] =	wrdreg s0  }
0x2d: {  	s4 =	sadd.s32 $0x18000, s14;
	[dreg:$0x1c] =	wrdreg s3  }
0x2e: {  	s5 =	sadd.s32 $0x20000, s14;
	[dreg:$0x1d] =	wrdreg s4  }
0x2f: {  	s6 =	sadd.s32 $0x28000, s14;
	[dreg:$0x1e] =	wrdreg s5  }
0x30: {  	s7 =	sadd.s32 $0x30000, s14;
	[dreg:$0x1f] =	wrdreg s6  }
0x31: {  	s12 =	sadd.s32 $0x38000, s14;
	[smem:$0x7FA] =	sst s7  }
0x32: {  	s13 =	sadd.s32 $0x40000, s14;
	[smem:$0x7FB] =	sst s12  }
0x33: {  	s15 =	sadd.s32 $0x48000, s14;
	[smem:$0x7FC] =	sst s13  }
0x34: {  	[smem:$0x7FD] =	sst s15  }
0x35: {  	s31 =	sld [smem:$0x7E7]  }
0x36: {  	s5 =	sld [smem:$0x7E8]  }
0x37: {  	s6 =	sld [smem:$0x7E9]  }
0x38: {  	p0 =	seq.s32 s8, $0xF;
	s12 =	rddreg [dreg:$0x5]  }
0x39: {  	s3 =	sadd.s32 $0x1E000, s2;
	s13 =	simm.s32 $0x13C00;
	s7 =	rddreg [dreg:$0x7]  }
0x3a: {  	s16 =	sshll.u32 s8, $0xD;
	s0 =	sshrl.u32 @p0 s3, $0x3;
	[smem:$0x7F8] =	sst s13  }
0x3b: {  	s1 =	sadd.s32 s16, s2;
	[smem:$0x7EA] =	sst s0  }
0x3c: {  	s0 =	sshrl.u32 @!p0 s1, $0x3;
	s4 =	sld [smem:$0x7EA]  }
0x3d: {  	[tilespmem:s9], [sflag:$0x16] =	stream.strided.gather [hbm4b:s10+s6], $0x800, s5, s6, $0x38;
	[tilespmem:$0x16B40] =	vst v63  }
0x3e: {  	s1 =	simm.s32 @p0 $0x1FD7;
	[smem:$0x7EC] =	sst s0;
	s6 =	simm.s32 @p0 $0x17  }
0x3f: {  	[tilespmem:s31], [sflag:$0x16] =	stream.linear.gather [hbm4b:s12+s9], $0x200, $0x38;
	[tilespmem:$0x16B40] =	vst v63  }
0x40: {  	[spmem:s4], [sflag:s1] =	dma.local @p0 [hbm:s7], $0x280  }
0x41: {  	_ =	swait.ge @p0 [sflag:s6], $0x280  }
0x42: {  	s3 =	sshll.u32 @!p0 s8, $0x6;
	s1 =	sld [smem:$0x7EC]  }
0x43: {  	s3 =	sor.u32 @!p0 $0x1C17, s3;
	s0 =	rddreg [dreg:$0x6];
	[sflag:s6] =	ssyncset.done @p0 $0x0  }
0x44: {  	s4 =	simm.s32 @!p0 $0x17;
	[smem:$0x7ED] =	sst s3;
	[sflag:s6] =	ssyncadd.s32 @p0 $0xFFFFFD80  }
0x45: {  	[spmem:s1], [sflag:s3] =	dma.local @!p0 [hbm:s0], $0x400  }
0x46: {  	_ =	swait.ge @!p0 [sflag:s4], $0x400  }
0x47: {  	[sflag:s4] =	ssyncset.done @!p0 $0x0  }
0x48: {  	s15 =	simm.s32 $0x16;
	[sflag:s4] =	ssyncadd.s32 @!p0 $0xFFFFFC00  }
0x49: {  	_ =	swait.ge [sflag:s15], $0xA00  }
0x4a: {  	[sflag:s15] =	ssyncset.done $0x0  }
0x4b: {  	[sflag:s15] =	ssyncadd.s32 $0xFFFFF600  }
0x4c: {  	[bflag:$0x0] =	sbarrier.arrive $0xFFFF  }
0x4d: {  	s0 =	sld [smem:$0x7EE]  }
0x4e: {  	s16 =	sld [smem:$0x7EF]  }
0x4f: {  	s17 =	rddreg [dreg:$0x9]  }
0x50: {  	s4 =	sld [smem:$0x7F0]  }
0x51: {  	s18 =	rddreg [dreg:$0xa]  }
0x52: {  	s19 =	sld [smem:$0x7F1]  }
0x53: {  	s21 =	rddreg [dreg:$0xb]  }
0x54: {  	s12 =	simm.s32 $0x20;
	s15 =	simm.s32 $0xC00;
	[smem:$0x7F2] =	sst s11  }
0x55: {  	[tilespmem:s15], [sflag:$0x1] =	stream.indirect.gather [spmem:s2], $0x80, s11, s12, $0xb8;
	[tilespmem:$0x16B40] =	vst v63  }
0x56: {  	s22 =	sld [smem:$0x7F3]  }
0x57: {  	s23 =	rddreg [dreg:$0x8]  }
0x58: {  	s24 =	sld [smem:$0x7F4]  }
0x59: {  	s13 =	sld [smem:$0x7F5]  }
0x5a: {  	[tilespmem:s22], [sflag:$0x2] =	stream.indirect.gather [spmem:s2], $0x80, s23, s12, $0xb8;
	[tilespmem:$0x16B40] =	vst v63  }
0x5b: {  	s9 =	simm.s32 $0x2C00;
	s25 =	sld [smem:$0x7F6]  }
0x5c: {  	[tilespmem:s9], [sflag:$0x3] =	stream.indirect.gather [spmem:s2], $0x80, s17, s12, $0xb8;
	[tilespmem:$0x16B40] =	vst v63  }
0x5d: {  	s26 =	sld [smem:$0x7F7]  }
0x5e: {  	[tilespmem:s16], [sflag:$0x4] =	stream.indirect.gather [spmem:s2], $0x80, s18, s12, $0xb8;
	[tilespmem:$0x16B40] =	vst v63  }
0x5f: {  	s11 =	simm.s32 $0x4C00;
	s28 =	rddreg [dreg:$0xc]  }
0x60: {  	[tilespmem:s11], [sflag:$0x5] =	stream.indirect.gather [spmem:s2], $0x80, s21, s12, $0xb8;
	[tilespmem:$0x16B40] =	vst v63  }
0x61: {  	s29 =	rddreg [dreg:$0xd]  }
0x62: {  	[tilespmem:s26], [sflag:$0x6] =	stream.indirect.gather [spmem:s2], $0x80, s28, s12, $0xb8;
	[tilespmem:$0x16B40] =	vst v63  }
0x63: {  	s7 =	simm.s32 $0x6C00;
	s30 =	rddreg [dreg:$0xe]  }
0x64: {  	[tilespmem:s7], [sflag:$0x7] =	stream.indirect.gather [spmem:s2], $0x80, s29, s12, $0xb8;
	[tilespmem:$0x16B40] =	vst v63  }
0x65: {  	s31 =	rddreg [dreg:$0xf]  }
0x66: {  	[tilespmem:s24], [sflag:$0x8] =	stream.indirect.gather [spmem:s2], $0x80, s30, s12, $0xb8;
	[tilespmem:$0x16B40] =	vst v63  }
0x67: {  	s5 =	simm.s32 $0x8C00;
	s10 =	rddreg [dreg:$0x10]  }
0x68: {  	[tilespmem:s5], [sflag:$0x9] =	stream.indirect.gather [spmem:s2], $0x80, s31, s12, $0xb8;
	[tilespmem:$0x16B40] =	vst v63  }
0x69: {  	s22 =	rddreg [dreg:$0x16]  }
0x6a: {  	[tilespmem:s25], [sflag:$0xA] =	stream.indirect.gather [spmem:s2], $0x80, s10, s12, $0xb8;
	[tilespmem:$0x16B40] =	vst v63  }
0x6b: {  	s8 =	simm.s32 $0xAC00;
	s16 =	rddreg [dreg:$0x11]  }
0x6c: {  	[tilespmem:s8], [sflag:$0xB] =	stream.indirect.gather [spmem:s2], $0x80, s16, s12, $0xb8;
	[tilespmem:$0x16B40] =	vst v63  }
0x6d: {  	s17 =	rddreg [dreg:$0x12]  }
0x6e: {  	[tilespmem:s19], [sflag:$0xC] =	stream.indirect.gather [spmem:s2], $0x80, s17, s12, $0xb8;
	[tilespmem:$0x16B40] =	vst v63  }
0x6f: {  	s18 =	rddreg [dreg:$0x13];
	s10 =	simm.s32 $0xCC00  }
0x70: {  	[tilespmem:s10], [sflag:$0xD] =	stream.indirect.gather [spmem:s2], $0x80, s18, s12, $0xb8;
	[tilespmem:$0x16B40] =	vst v63  }
0x71: {  	s19 =	rddreg [dreg:$0x14]  }
0x72: {  	[tilespmem:s4], [sflag:$0xE] =	stream.indirect.gather [spmem:s2], $0x80, s19, s12, $0xb8;
	[tilespmem:$0x16B40] =	vst v63  }
0x73: {  	s21 =	rddreg [dreg:$0x15];
	s16 =	simm.s32 $0xEC00  }
0x74: {  	[tilespmem:s16], [sflag:$0xF] =	stream.indirect.gather [spmem:s2], $0x80, s21, s12, $0xb8;
	[tilespmem:$0x16B40] =	vst v63  }
0x75: {  	s23 =	rddreg [dreg:$0x17]  }
0x76: {  	[tilespmem:s0], [sflag:$0x10] =	stream.indirect.gather [spmem:s2], $0x80, s22, s12, $0xb8;
	[tilespmem:$0x16B40] =	vst v63  }
0x77: {  	s26 =	sld [smem:$0x7F8];
	s17 =	simm.s32 $0x10C00  }
0x78: {  	[tilespmem:s17], [sflag:$0x11] =	stream.indirect.gather [spmem:s2], $0x80, s23, s12, $0xb8;
	[tilespmem:$0x16B40] =	vst v63  }
0x79: {  	s24 =	rddreg [dreg:$0x18]  }
0x7a: {  	[tilespmem:s13], [sflag:$0x12] =	stream.indirect.gather [spmem:s2], $0x80, s24, s12, $0xb8;
	[tilespmem:$0x16B40] =	vst v63  }
0x7b: {  	s25 =	rddreg [dreg:$0x19];
	s21 =	simm.s32 $0x12C00  }
0x7c: {  	[tilespmem:s21], [sflag:$0x13] =	stream.indirect.gather [spmem:s2], $0x80, s25, s12, $0xb8;
	[tilespmem:$0x16B40] =	vst v63  }
0x7d: {  	s28 =	rddreg [dreg:$0x1a];
	s29 =	simm.s32 $0x1  }
0x7e: {  	[tilespmem:s26], [sflag:$0x14] =	stream.indirect.gather [spmem:s2], $0x80, s28, s12, $0xb8;
	[tilespmem:$0x16B40] =	vst v63  }
0x7f: {  	_ =	swait.ge [sflag:s29], $0x1000  }
0x80: {  	[sflag:s29] =	ssyncset.done $0x0  }
0x81: {  	s30 =	simm.s32 $0x2;
	[sflag:s29] =	ssyncadd.s32 $0xFFFFF000  }
0x82: {  	_ =	swait.ge [sflag:s30], $0x1000  }
0x83: {  	s31 =	simm.s32 $0x3;
	s25 =	simm.s32 $0x1000;
	[sflag:s30] =	ssyncset.done $0x0  }
0x84: {  	s26 =	simm.s32 $0x20000;
	[smem:$0x7F9] =	sst s14;
	[sflag:s30] =	ssyncadd.s32 $0xFFFFF000  }
0x85: {  	[hbm4b:s14+s25] =	stream.strided.scatter [tilespmem:s15], [sflag:$0x15], $0x2000, s26, s25, $0x38;
	[tilespmem:$0x16B40] =	vst v63  }
0x86: {  	_ =	swait.ge [sflag:s31], $0x1000  }
0x87: {  	[sflag:s31] =	ssyncset.done $0x0  }
0x88: {  	s0 =	simm.s32 $0x4;
	[sflag:s31] =	ssyncadd.s32 $0xFFFFF000  }
0x89: {  	_ =	swait.ge [sflag:s0], $0x1000  }
0x8a: {  	[sflag:s0] =	ssyncset.done $0x0  }
0x8b: {  	s4 =	simm.s32 $0x5;
	s3 =	rddreg [dreg:$0x1b];
	[sflag:s0] =	ssyncadd.s32 $0xFFFFF000  }
0x8c: {  	[hbm4b:s3+s25] =	stream.strided.scatter [tilespmem:s9], [sflag:$0x15], $0x2000, s26, s25, $0x38;
	[tilespmem:$0x16B40] =	vst v63  }
0x8d: {  	_ =	swait.ge [sflag:s4], $0x1000  }
0x8e: {  	[sflag:s4] =	ssyncset.done $0x0  }
0x8f: {  	s6 =	simm.s32 $0x6;
	[sflag:s4] =	ssyncadd.s32 $0xFFFFF000  }
0x90: {  	_ =	swait.ge [sflag:s6], $0x1000  }
0x91: {  	[sflag:s6] =	ssyncset.done $0x0  }
0x92: {  	s13 =	simm.s32 $0x7;
	s9 =	rddreg [dreg:$0x1c];
	[sflag:s6] =	ssyncadd.s32 $0xFFFFF000  }
0x93: {  	[hbm4b:s9+s25] =	stream.strided.scatter [tilespmem:s11], [sflag:$0x15], $0x2000, s26, s25, $0x38;
	[tilespmem:$0x16B40] =	vst v63  }
0x94: {  	_ =	swait.ge [sflag:s13], $0x1000  }
0x95: {  	[sflag:s13] =	ssyncset.done $0x0  }
0x96: {  	s14 =	simm.s32 $0x8;
	[sflag:s13] =	ssyncadd.s32 $0xFFFFF000  }
0x97: {  	_ =	swait.ge [sflag:s14], $0x1000  }
0x98: {  	[sflag:s14] =	ssyncset.done $0x0  }
0x99: {  	s18 =	simm.s32 $0x9;
	s15 =	rddreg [dreg:$0x1d];
	[sflag:s14] =	ssyncadd.s32 $0xFFFFF000  }
0x9a: {  	[hbm4b:s15+s25] =	stream.strided.scatter [tilespmem:s7], [sflag:$0x15], $0x2000, s26, s25, $0x38;
	[tilespmem:$0x16B40] =	vst v63  }
0x9b: {  	_ =	swait.ge [sflag:s18], $0x1000  }
0x9c: {  	[sflag:s18] =	ssyncset.done $0x0  }
0x9d: {  	s3 =	simm.s32 $0xA;
	[sflag:s18] =	ssyncadd.s32 $0xFFFFF000  }
0x9e: {  	_ =	swait.ge [sflag:s3], $0x1000  }
0x9f: {  	[sflag:s3] =	ssyncset.done $0x0  }
0xa0: {  	s4 =	simm.s32 $0xB;
	s19 =	rddreg [dreg:$0x1e];
	[sflag:s3] =	ssyncadd.s32 $0xFFFFF000  }
0xa1: {  	[hbm4b:s19+s25] =	stream.strided.scatter [tilespmem:s5], [sflag:$0x15], $0x2000, s26, s25, $0x38;
	[tilespmem:$0x16B40] =	vst v63  }
0xa2: {  	_ =	swait.ge [sflag:s4], $0x1000  }
0xa3: {  	[sflag:s4] =	ssyncset.done $0x0  }
0xa4: {  	s5 =	simm.s32 $0xC;
	[sflag:s4] =	ssyncadd.s32 $0xFFFFF000  }
0xa5: {  	_ =	swait.ge [sflag:s5], $0x1000  }
0xa6: {  	[sflag:s5] =	ssyncset.done $0x0  }
0xa7: {  	s6 =	simm.s32 $0xD;
	s22 =	rddreg [dreg:$0x1f];
	[sflag:s5] =	ssyncadd.s32 $0xFFFFF000  }
0xa8: {  	[hbm4b:s22+s25] =	stream.strided.scatter [tilespmem:s8], [sflag:$0x15], $0x2000, s26, s25, $0x38;
	[tilespmem:$0x16B40] =	vst v63  }
0xa9: {  	_ =	swait.ge [sflag:s6], $0x1000  }
0xaa: {  	[sflag:s6] =	ssyncset.done $0x0  }
0xab: {  	s9 =	simm.s32 $0xE;
	[sflag:s6] =	ssyncadd.s32 $0xFFFFF000  }
0xac: {  	_ =	swait.ge [sflag:s9], $0x1000  }
0xad: {  	s23 =	sld [smem:$0x7FA]  }
0xae: {  	[sflag:s9] =	ssyncset.done $0x0  }
0xaf: {  	s13 =	simm.s32 $0xF;
	[sflag:s9] =	ssyncadd.s32 $0xFFFFF000  }
0xb0: {  	[hbm4b:s23+s25] =	stream.strided.scatter [tilespmem:s10], [sflag:$0x15], $0x2000, s26, s25, $0x38;
	[tilespmem:$0x16B40] =	vst v63  }
0xb1: {  	_ =	swait.ge [sflag:s13], $0x1000  }
0xb2: {  	[sflag:s13] =	ssyncset.done $0x0  }
0xb3: {  	s14 =	simm.s32 $0x10;
	[sflag:s13] =	ssyncadd.s32 $0xFFFFF000  }
0xb4: {  	_ =	swait.ge [sflag:s14], $0x1000  }
0xb5: {  	s24 =	sld [smem:$0x7FB]  }
0xb6: {  	[sflag:s14] =	ssyncset.done $0x0  }
0xb7: {  	s15 =	simm.s32 $0x11;
	[sflag:s14] =	ssyncadd.s32 $0xFFFFF000  }
0xb8: {  	[hbm4b:s24+s25] =	stream.strided.scatter [tilespmem:s16], [sflag:$0x15], $0x2000, s26, s25, $0x38;
	[tilespmem:$0x16B40] =	vst v63  }
0xb9: {  	_ =	swait.ge [sflag:s15], $0x1000  }
0xba: {  	[sflag:s15] =	ssyncset.done $0x0  }
0xbb: {  	s16 =	simm.s32 $0x12;
	[sflag:s15] =	ssyncadd.s32 $0xFFFFF000  }
0xbc: {  	_ =	swait.ge [sflag:s16], $0x1000  }
0xbd: {  	s28 =	sld [smem:$0x7FC]  }
0xbe: {  	[sflag:s16] =	ssyncset.done $0x0  }
0xbf: {  	s18 =	simm.s32 $0x13;
	[sflag:s16] =	ssyncadd.s32 $0xFFFFF000  }
0xc0: {  	[hbm4b:s28+s25] =	stream.strided.scatter [tilespmem:s17], [sflag:$0x15], $0x2000, s26, s25, $0x38;
	[tilespmem:$0x16B40] =	vst v63  }
0xc1: {  	_ =	swait.ge [sflag:s18], $0x1000  }
0xc2: {  	[sflag:s18] =	ssyncset.done $0x0  }
0xc3: {  	s19 =	simm.s32 $0x14;
	[sflag:s18] =	ssyncadd.s32 $0xFFFFF000  }
0xc4: {  	_ =	swait.ge [sflag:s19], $0x1000  }
0xc5: {  	s29 =	sld [smem:$0x7FD]  }
0xc6: {  	[sflag:s19] =	ssyncset.done $0x0  }
0xc7: {  	s17 =	simm.s32 $0x15;
	[sflag:s19] =	ssyncadd.s32 $0xFFFFF000  }
0xc8: {  	[hbm4b:s29+s25] =	stream.strided.scatter [tilespmem:s21], [sflag:$0x15], $0x2000, s26, s25, $0x38;
	[tilespmem:$0x16B40] =	vst v63  }
0xc9: {  	_ =	swait.ge [sflag:s17], $0x2000  }
0xca: {  	[sflag:s17] =	ssyncset.done $0x0  }
0xcb: {  	[sflag:s17] =	ssyncadd.s32 $0xFFFFE000  }
0xcc: {  	_ =	swait.ge [sflag:s17], $0x2000  }
0xcd: {  	[sflag:s17] =	ssyncset.done $0x0  }
0xce: {  	s30 =	ssub.s32 $0x2, s20;
	[sflag:s17] =	ssyncadd.s32 $0xFFFFE000  }
0xcf: {  	s31 =	sshrl.u32 s30, $0x1;
	_ =	swait.ge [sflag:s17], $0x2000  }
0xd0: {  	s8 =	ssub.s32 s30, s31;
	[sflag:s17] =	ssyncset.done $0x0  }
0xd1: {  	s8 =	smax.u32 s8, $0x1;
	[sflag:s17] =	ssyncadd.s32 $0xFFFFE000  }
0xd2: {  	s20 =	sadd.s32 $0xFFFFFFFF, s8;
	_ =	swait.ge [sflag:s17], $0x2000  }
0xd3: {  	p1 =	sne.s32 s20, $0x0;
	[sflag:s17] =	ssyncset.done $0x0  }
.Ltmp0:
0xd4: {  	[sflag:s17] =	ssyncadd.s32 $0xFFFFE000;
	(pc) =	sbr.rel @!p1 .LBB2_3-.Ltmp0, $4  }
0xd5: {  	_ =	swait.ge [sflag:s17], $0x2000  }
0xd6: {  	[sflag:s17] =	ssyncset.done $0x0  }
0xd7: {  	[sflag:s17] =	ssyncadd.s32 $0xFFFFE000  }
0xd8: {  	_ =	swait.ge [sflag:s17], $0x2000  }
0xd9: {  	s7 =	simm.s32 $0x4C00  }
.LBB2_2:
0xda: {  	[sflag:s17] =	ssyncset.done $0x0  }
0xdb: {  	[sflag:s17] =	ssyncadd.s32 $0xFFFFE000  }
0xdc: {  	_ =	swait.ge [sflag:s17], $0x2000  }
0xdd: {  	[sflag:s17] =	ssyncset.done $0x0  }
0xde: {  	[sflag:s17] =	ssyncadd.s32 $0xFFFFE000  }
0xdf: {  	_ =	swait.ge [sflag:s17], $0x2000  }
0xe0: {  	[sflag:s17] =	ssyncset.done $0x0  }
0xe1: {  	[sflag:s17] =	ssyncadd.s32 $0xFFFFE000  }
0xe2: {  	_ =	swait.ge [sflag:s17], $0x2000  }
0xe3: {  	[sflag:s17] =	ssyncset.done $0x0  }
0xe4: {  	[sflag:s17] =	ssyncadd.s32 $0xFFFFE000  }
0xe5: {  	_ =	swait.ge [sflag:s17], $0x2000  }
0xe6: {  	s10 =	sld [smem:$0x7E8]  }
0xe7: {  	s21 =	sld [smem:$0x7E9]  }
0xe8: {  	s24 =	sld [smem:$0x7EB]  }
0xe9: {  	s8 =	sld [smem:$0x7E7];
	[sflag:s17] =	ssyncset.done $0x0  }
0xea: {  	s0 =	simm.s32 $0x0;
	s22 =	sld [smem:$0x7EA];
	[sflag:s17] =	ssyncadd.s32 $0xFFFFE000  }
0xeb: {  	[tilespmem:s0], [sflag:$0x16] =	stream.strided.gather [hbm4b:s24+s21], $0x800, s10, s21, $0x38;
	[tilespmem:$0x16B40] =	vst v63  }
0xec: {  	s11 =	rddreg [dreg:$0x5]  }
0xed: {  	[tilespmem:s8], [sflag:$0x16] =	stream.linear.gather [hbm4b:s11+s0], $0x200, $0x38;
	[tilespmem:$0x16B40] =	vst v63  }
0xee: {  	s23 =	rddreg [dreg:$0x7];
	s0 =	simm.s32 @p0 $0x1FD7  }
0xef: {  	[spmem:s22], [sflag:s0] =	dma.local @p0 [hbm:s23], $0x280  }
0xf0: {  	s0 =	simm.s32 @p0 $0x17  }
0xf1: {  	_ =	swait.ge @p0 [sflag:s0], $0x280  }
0xf2: {  	[sflag:s0] =	ssyncset.done @p0 $0x0;
	s10 =	sld [smem:$0x7EC]  }
0xf3: {  	[sflag:s0] =	ssyncadd.s32 @p0 $0xFFFFFD80;
	s0 =	sld [smem:$0x7ED];
	_ =	sdelay $0x1  }
0xf4: {  	s8 =	rddreg [dreg:$0x6]  }
0xf5: {  	[spmem:s10], [sflag:s0] =	dma.local @!p0 [hbm:s8], $0x400  }
0xf6: {  	s0 =	simm.s32 @!p0 $0x17  }
0xf7: {  	_ =	swait.ge @!p0 [sflag:s0], $0x400  }
0xf8: {  	[sflag:s0] =	ssyncset.done @!p0 $0x0  }
0xf9: {  	s8 =	simm.s32 $0x16;
	[sflag:s0] =	ssyncadd.s32 @!p0 $0xFFFFFC00  }
0xfa: {  	_ =	swait.ge [sflag:s8], $0xA00  }
0xfb: {  	[sflag:s8] =	ssyncset.done $0x0  }
0xfc: {  	[sflag:s8] =	ssyncadd.s32 $0xFFFFF600  }
0xfd: {  	[bflag:$0x0] =	sbarrier.arrive $0xFFFF  }
0xfe: {  	s21 =	sld [smem:$0x7F8]  }
0xff: {  	s22 =	sld [smem:$0x7EE]  }
0x100: {  	s11 =	sld [smem:$0x7EF]  }
0x101: {  	s23 =	rddreg [dreg:$0x9]  }
0x102: {  	s8 =	sld [smem:$0x7F0]  }
0x103: {  	s24 =	rddreg [dreg:$0xa]  }
0x104: {  	s28 =	sld [smem:$0x7F1]  }
0x105: {  	s29 =	rddreg [dreg:$0xb]  }
0x106: {  	s10 =	sld [smem:$0x7F2]  }
0x107: {  	s30 =	sld [smem:$0x7F3]  }
0x108: {  	s1 =	simm.s32 $0xC00;
	s31 =	rddreg [dreg:$0x8]  }
0x109: {  	[tilespmem:s1], [sflag:$0x1] =	stream.indirect.gather [spmem:s2], $0x80, s10, s12, $0xb8;
	[tilespmem:$0x16B40] =	vst v63  }
0x10a: {  	s0 =	sld [smem:$0x7F4]  }
0x10b: {  	[tilespmem:s30], [sflag:$0x2] =	stream.indirect.gather [spmem:s2], $0x80, s31, s12, $0xb8;
	[tilespmem:$0x16B40] =	vst v63  }
0x10c: {  	s10 =	sld [smem:$0x7F5];
	s31 =	simm.s32 $0x2C00  }
0x10d: {  	[tilespmem:s31], [sflag:$0x3] =	stream.indirect.gather [spmem:s2], $0x80, s23, s12, $0xb8;
	[tilespmem:$0x16B40] =	vst v63  }
0x10e: {  	s30 =	sld [smem:$0x7F6]  }
0x10f: {  	[tilespmem:s11], [sflag:$0x4] =	stream.indirect.gather [spmem:s2], $0x80, s24, s12, $0xb8;
	[tilespmem:$0x16B40] =	vst v63  }
0x110: {  	s23 =	sld [smem:$0x7F7]  }
0x111: {  	[tilespmem:s7], [sflag:$0x5] =	stream.indirect.gather [spmem:s2], $0x80, s29, s12, $0xb8;
	[tilespmem:$0x16B40] =	vst v63  }
0x112: {  	s11 =	rddreg [dreg:$0xc]  }
0x113: {  	[tilespmem:s23], [sflag:$0x6] =	stream.indirect.gather [spmem:s2], $0x80, s11, s12, $0xb8;
	[tilespmem:$0x16B40] =	vst v63  }
0x114: {  	s24 =	rddreg [dreg:$0xd];
	s29 =	simm.s32 $0x6C00  }
0x115: {  	[tilespmem:s29], [sflag:$0x7] =	stream.indirect.gather [spmem:s2], $0x80, s24, s12, $0xb8;
	[tilespmem:$0x16B40] =	vst v63  }
0x116: {  	s11 =	rddreg [dreg:$0xe]  }
0x117: {  	[tilespmem:s0], [sflag:$0x8] =	stream.indirect.gather [spmem:s2], $0x80, s11, s12, $0xb8;
	[tilespmem:$0x16B40] =	vst v63  }
0x118: {  	s23 =	rddreg [dreg:$0xf];
	s24 =	simm.s32 $0x8C00  }
0x119: {  	[tilespmem:s24], [sflag:$0x9] =	stream.indirect.gather [spmem:s2], $0x80, s23, s12, $0xb8;
	[tilespmem:$0x16B40] =	vst v63  }
0x11a: {  	s0 =	rddreg [dreg:$0x10]  }
0x11b: {  	[tilespmem:s30], [sflag:$0xA] =	stream.indirect.gather [spmem:s2], $0x80, s0, s12, $0xb8;
	[tilespmem:$0x16B40] =	vst v63  }
0x11c: {  	s11 =	rddreg [dreg:$0x11];
	s23 =	simm.s32 $0xAC00  }
0x11d: {  	[tilespmem:s23], [sflag:$0xB] =	stream.indirect.gather [spmem:s2], $0x80, s11, s12, $0xb8;
	[tilespmem:$0x16B40] =	vst v63  }
0x11e: {  	s30 =	rddreg [dreg:$0x12]  }
0x11f: {  	[tilespmem:s28], [sflag:$0xC] =	stream.indirect.gather [spmem:s2], $0x80, s30, s12, $0xb8;
	[tilespmem:$0x16B40] =	vst v63  }
0x120: {  	s11 =	rddreg [dreg:$0x13];
	s28 =	simm.s32 $0xCC00  }
0x121: {  	[tilespmem:s28], [sflag:$0xD] =	stream.indirect.gather [spmem:s2], $0x80, s11, s12, $0xb8;
	[tilespmem:$0x16B40] =	vst v63  }
0x122: {  	s30 =	rddreg [dreg:$0x14]  }
0x123: {  	[tilespmem:s8], [sflag:$0xE] =	stream.indirect.gather [spmem:s2], $0x80, s30, s12, $0xb8;
	[tilespmem:$0x16B40] =	vst v63  }
0x124: {  	s11 =	rddreg [dreg:$0x15];
	s30 =	simm.s32 $0xEC00  }
0x125: {  	[tilespmem:s30], [sflag:$0xF] =	stream.indirect.gather [spmem:s2], $0x80, s11, s12, $0xb8;
	[tilespmem:$0x16B40] =	vst v63  }
0x126: {  	s0 =	rddreg [dreg:$0x16]  }
0x127: {  	[tilespmem:s22], [sflag:$0x10] =	stream.indirect.gather [spmem:s2], $0x80, s0, s12, $0xb8;
	[tilespmem:$0x16B40] =	vst v63  }
0x128: {  	s8 =	rddreg [dreg:$0x17];
	s11 =	simm.s32 $0x10C00  }
0x129: {  	[tilespmem:s11], [sflag:$0x11] =	stream.indirect.gather [spmem:s2], $0x80, s8, s12, $0xb8;
	[tilespmem:$0x16B40] =	vst v63  }
0x12a: {  	s22 =	rddreg [dreg:$0x18]  }
0x12b: {  	[tilespmem:s10], [sflag:$0x12] =	stream.indirect.gather [spmem:s2], $0x80, s22, s12, $0xb8;
	[tilespmem:$0x16B40] =	vst v63  }
0x12c: {  	s8 =	rddreg [dreg:$0x19];
	s10 =	simm.s32 $0x12C00  }
0x12d: {  	[tilespmem:s10], [sflag:$0x13] =	stream.indirect.gather [spmem:s2], $0x80, s8, s12, $0xb8;
	[tilespmem:$0x16B40] =	vst v63  }
0x12e: {  	s22 =	rddreg [dreg:$0x1a];
	s8 =	simm.s32 $0x1  }
0x12f: {  	[tilespmem:s21], [sflag:$0x14] =	stream.indirect.gather [spmem:s2], $0x80, s22, s12, $0xb8;
	[tilespmem:$0x16B40] =	vst v63  }
0x130: {  	_ =	swait.ge [sflag:s8], $0x1000  }
0x131: {  	[sflag:s8] =	ssyncset.done $0x0  }
0x132: {  	s21 =	simm.s32 $0x2;
	[sflag:s8] =	ssyncadd.s32 $0xFFFFF000  }
0x133: {  	_ =	swait.ge [sflag:s21], $0x1000  }
0x134: {  	s22 =	sld [smem:$0x7F9]  }
0x135: {  	[sflag:s21] =	ssyncset.done $0x0  }
0x136: {  	s8 =	simm.s32 $0x3;
	[sflag:s21] =	ssyncadd.s32 $0xFFFFF000  }
0x137: {  	[hbm4b:s22+s25] =	stream.strided.scatter [tilespmem:s1], [sflag:$0x15], $0x2000, s26, s25, $0x38;
	[tilespmem:$0x16B40] =	vst v63  }
0x138: {  	_ =	swait.ge [sflag:s8], $0x1000  }
0x139: {  	[sflag:s8] =	ssyncset.done $0x0  }
0x13a: {  	s21 =	simm.s32 $0x4;
	[sflag:s8] =	ssyncadd.s32 $0xFFFFF000  }
0x13b: {  	_ =	swait.ge [sflag:s21], $0x1000  }
0x13c: {  	[sflag:s21] =	ssyncset.done $0x0  }
0x13d: {  	s22 =	rddreg [dreg:$0x1b];
	[sflag:s21] =	ssyncadd.s32 $0xFFFFF000  }
0x13e: {  	[hbm4b:s22+s25] =	stream.strided.scatter [tilespmem:s31], [sflag:$0x15], $0x2000, s26, s25, $0x38;
	[tilespmem:$0x16B40] =	vst v63  }
0x13f: {  	s31 =	simm.s32 $0x5  }
0x140: {  	_ =	swait.ge [sflag:s31], $0x1000  }
0x141: {  	[sflag:s31] =	ssyncset.done $0x0  }
0x142: {  	s0 =	simm.s32 $0x6;
	[sflag:s31] =	ssyncadd.s32 $0xFFFFF000  }
0x143: {  	_ =	swait.ge [sflag:s0], $0x1000  }
0x144: {  	[sflag:s0] =	ssyncset.done $0x0  }
0x145: {  	s21 =	simm.s32 $0x7;
	s8 =	rddreg [dreg:$0x1c];
	[sflag:s0] =	ssyncadd.s32 $0xFFFFF000  }
0x146: {  	[hbm4b:s8+s25] =	stream.strided.scatter [tilespmem:s7], [sflag:$0x15], $0x2000, s26, s25, $0x38;
	[tilespmem:$0x16B40] =	vst v63  }
0x147: {  	_ =	swait.ge [sflag:s21], $0x1000  }
0x148: {  	[sflag:s21] =	ssyncset.done $0x0  }
0x149: {  	s22 =	simm.s32 $0x8;
	[sflag:s21] =	ssyncadd.s32 $0xFFFFF000  }
0x14a: {  	_ =	swait.ge [sflag:s22], $0x1000  }
0x14b: {  	[sflag:s22] =	ssyncset.done $0x0  }
0x14c: {  	s8 =	simm.s32 $0x9;
	s31 =	rddreg [dreg:$0x1d];
	[sflag:s22] =	ssyncadd.s32 $0xFFFFF000  }
0x14d: {  	[hbm4b:s31+s25] =	stream.strided.scatter [tilespmem:s29], [sflag:$0x15], $0x2000, s26, s25, $0x38;
	[tilespmem:$0x16B40] =	vst v63  }
0x14e: {  	_ =	swait.ge [sflag:s8], $0x1000  }
0x14f: {  	[sflag:s8] =	ssyncset.done $0x0  }
0x150: {  	[sflag:s8] =	ssyncadd.s32 $0xFFFFF000  }
0x151: {  	_ =	swait.ge [sflag:s3], $0x1000  }
0x152: {  	[sflag:s3] =	ssyncset.done $0x0  }
0x153: {  	s21 =	rddreg [dreg:$0x1e];
	[sflag:s3] =	ssyncadd.s32 $0xFFFFF000  }
0x154: {  	[hbm4b:s21+s25] =	stream.strided.scatter [tilespmem:s24], [sflag:$0x15], $0x2000, s26, s25, $0x38;
	[tilespmem:$0x16B40] =	vst v63  }
0x155: {  	_ =	swait.ge [sflag:s4], $0x1000  }
0x156: {  	[sflag:s4] =	ssyncset.done $0x0  }
0x157: {  	[sflag:s4] =	ssyncadd.s32 $0xFFFFF000  }
0x158: {  	_ =	swait.ge [sflag:s5], $0x1000  }
0x159: {  	[sflag:s5] =	ssyncset.done $0x0  }
0x15a: {  	s22 =	rddreg [dreg:$0x1f];
	[sflag:s5] =	ssyncadd.s32 $0xFFFFF000  }
0x15b: {  	[hbm4b:s22+s25] =	stream.strided.scatter [tilespmem:s23], [sflag:$0x15], $0x2000, s26, s25, $0x38;
	[tilespmem:$0x16B40] =	vst v63  }
0x15c: {  	_ =	swait.ge [sflag:s6], $0x1000  }
0x15d: {  	[sflag:s6] =	ssyncset.done $0x0  }
0x15e: {  	[sflag:s6] =	ssyncadd.s32 $0xFFFFF000  }
0x15f: {  	_ =	swait.ge [sflag:s9], $0x1000  }
0x160: {  	s24 =	sld [smem:$0x7FA]  }
0x161: {  	[sflag:s9] =	ssyncset.done $0x0  }
0x162: {  	[sflag:s9] =	ssyncadd.s32 $0xFFFFF000  }
0x163: {  	[hbm4b:s24+s25] =	stream.strided.scatter [tilespmem:s28], [sflag:$0x15], $0x2000, s26, s25, $0x38;
	[tilespmem:$0x16B40] =	vst v63  }
0x164: {  	_ =	swait.ge [sflag:s13], $0x1000  }
0x165: {  	[sflag:s13] =	ssyncset.done $0x0  }
0x166: {  	[sflag:s13] =	ssyncadd.s32 $0xFFFFF000  }
0x167: {  	_ =	swait.ge [sflag:s14], $0x1000  }
0x168: {  	s29 =	sld [smem:$0x7FB]  }
0x169: {  	[sflag:s14] =	ssyncset.done $0x0  }
0x16a: {  	[sflag:s14] =	ssyncadd.s32 $0xFFFFF000  }
0x16b: {  	[hbm4b:s29+s25] =	stream.strided.scatter [tilespmem:s30], [sflag:$0x15], $0x2000, s26, s25, $0x38;
	[tilespmem:$0x16B40] =	vst v63  }
0x16c: {  	_ =	swait.ge [sflag:s15], $0x1000  }
0x16d: {  	[sflag:s15] =	ssyncset.done $0x0  }
0x16e: {  	[sflag:s15] =	ssyncadd.s32 $0xFFFFF000  }
0x16f: {  	_ =	swait.ge [sflag:s16], $0x1000  }
0x170: {  	s30 =	sld [smem:$0x7FC]  }
0x171: {  	[sflag:s16] =	ssyncset.done $0x0  }
0x172: {  	[sflag:s16] =	ssyncadd.s32 $0xFFFFF000  }
0x173: {  	[hbm4b:s30+s25] =	stream.strided.scatter [tilespmem:s11], [sflag:$0x15], $0x2000, s26, s25, $0x38;
	[tilespmem:$0x16B40] =	vst v63  }
0x174: {  	_ =	swait.ge [sflag:s18], $0x1000  }
0x175: {  	[sflag:s18] =	ssyncset.done $0x0  }
0x176: {  	[sflag:s18] =	ssyncadd.s32 $0xFFFFF000  }
0x177: {  	_ =	swait.ge [sflag:s19], $0x1000  }
0x178: {  	s31 =	sld [smem:$0x7FD]  }
0x179: {  	[sflag:s19] =	ssyncset.done $0x0  }
0x17a: {  	[sflag:s19] =	ssyncadd.s32 $0xFFFFF000  }
0x17b: {  	[hbm4b:s31+s25] =	stream.strided.scatter [tilespmem:s10], [sflag:$0x15], $0x2000, s26, s25, $0x38;
	[tilespmem:$0x16B40] =	vst v63  }
0x17c: {  	_ =	swait.ge [sflag:s17], $0x2000  }
0x17d: {  	[sflag:s17] =	ssyncset.done $0x0  }
0x17e: {  	[sflag:s17] =	ssyncadd.s32 $0xFFFFE000  }
0x17f: {  	_ =	swait.ge [sflag:s17], $0x2000  }
0x180: {  	[sflag:s17] =	ssyncset.done $0x0  }
0x181: {  	[sflag:s17] =	ssyncadd.s32 $0xFFFFE000  }
0x182: {  	_ =	swait.ge [sflag:s17], $0x2000  }
0x183: {  	[sflag:s17] =	ssyncset.done $0x0  }
0x184: {  	[sflag:s17] =	ssyncadd.s32 $0xFFFFE000  }
0x185: {  	s20 =	sadd.s32 $0xFFFFFFFF, s20;
	_ =	swait.ge [sflag:s17], $0x2000  }
0x186: {  	p1 =	sne.s32 s20, $0x0;
	[sflag:s17] =	ssyncset.done $0x0  }
.Ltmp1:
0x187: {  	[sflag:s17] =	ssyncadd.s32 $0xFFFFE000;
	(pc) =	sbr.rel @p1 .LBB2_2-.Ltmp1, $4  }
0x188: {  	_ =	swait.ge [sflag:s17], $0x2000  }
0x189: {  	[sflag:s17] =	ssyncset.done $0x0  }
0x18a: {  	[sflag:s17] =	ssyncadd.s32 $0xFFFFE000  }
0x18b: {  	_ =	swait.ge [sflag:s17], $0x2000  }
.LBB2_3:
0x18c: {  	[sflag:s17] =	ssyncset.done $0x0  }
0x18d: {  	[sflag:s17] =	ssyncadd.s32 $0xFFFFE000  }
0x18e: {  	_ =	swait.ge [sflag:s17], $0x2000  }
0x18f: {  	[sflag:s17] =	ssyncset.done $0x0  }
0x190: {  	[sflag:s17] =	ssyncadd.s32 $0xFFFFE000  }
0x191: {  	_ =	swait.ge [sflag:s17], $0x2000  }
0x192: {  	[sflag:s17] =	ssyncset.done $0x0  }
0x193: {  	[sflag:s17] =	ssyncadd.s32 $0xFFFFE000  }
0x194: {  	_ =	swait.ge [sflag:s17], $0x2000  }
0x195: {  	[sflag:s17] =	ssyncset.done $0x0  }
0x196: {  	[sflag:s17] =	ssyncadd.s32 $0xFFFFE000  }
0x197: {  	_ =	swait.ge [sflag:s17], $0x2000  }
0x198: {  	[sflag:s17] =	ssyncset.done $0x0  }
0x199: {  	[sflag:s17] =	ssyncadd.s32 $0xFFFFE000  }
0x19a: {  	_ =	sfence.sel $0x180000  }
0x19b: {  	[bflag:$0x0] =	sbarrier.arrive $0xFFFF  }
0x19c: {  	_ =	strace $0x90000047  }
0x19d: {  	s0 =	stileid.u32;
	[bflag:$0x2] =	sbarrier.arrive $0xFFFF  }
0x19e: {  	p0 =	sne.s32 s0, $0x0;
	s0 =	rddreg [dreg:$0x4]  }
0x19f: {  	s0 =	sadd.s32 @!p0 $0x100000, s0  }
0x1a0: {  	[sflag:s0] =	ssyncadd.tile.s32 @!p0 $0x1;
	_ =	shalt  }
.Lfunc_end2:
_tile_overlayer_lowered:
.L_overlay_start_2:
0x1a1: {  	(tag) =	ssettag $0x2  }
0x1a2: {  	s0 =	rddreg [dreg:$0x0];
	s2 =	stileid.u32  }
0x1a3: {  	s1 =	rddreg [dreg:$0x1];
	p0 =	sne.s32 s2, $0x0  }
0x1a4: {  	s3 =	rddreg [dreg:$0x2];
	[bflag:$0x3] =	sbarrier.arrive $0xFFFF;
	s2 =	simm.s32 @!p0 $0x1C17  }
0x1a5: {  	[timem:s3], [sflag:s2] =	dma.local @!p0 [hbm:s0], s1  }
0x1a6: {  	s0 =	simm.s32 @!p0 $0x17  }
0x1a7: {  	_ =	swait.ge @!p0 [sflag:s0], s1  }
0x1a8: {  	s1 =	ssub.s32 @!p0 $0x0, s1;
	[sflag:s0] =	ssyncset.done @!p0 $0x0  }
0x1a9: {  	[sflag:s0] =	ssyncadd.s32 @!p0 s1  }
0x1aa: {  	[bflag:$0x3] =	sbarrier.arrive $0xFFFF  }
0x1ab: {  	_ =	shalt  }

</sc_bundles>
